<compile_context>
chip_gen: v7x
topology: tpu7x:2x2x1
jax: 0.10.2.dev20260603
libtpu: 0.0.44.dev20260713+nightly
codegen_flags: <defaults>
</compile_context>

<pallas_src>
import functools

import jax
import jax.numpy as jnp
from jax import lax
from jax.experimental import pallas as pl
from jax.experimental.pallas import tpu as pltpu
from jax.experimental.pallas import tpu_sc as plsc

HOP_ = 80
T_ = 32768
CD_ = 64
K_ = 512
ROWS_ = 256
BLK_A = 64
SPF_ = HOP_ * 128
BLK_C = 4096
NW_ = 32
BW_ = T_ // NW_


def _stats_body(x_ref, cb_ref, wd_ref, f0p_ref, vuvp_ref, tab_ref,
                m_scr, e_scr, p_scr):
    i = pl.program_id(0)

    @pl.when(i == 0)
    def _():
        s = lax.broadcasted_iota(jnp.int32, (SPF_, 128), 0)
        f = lax.broadcasted_iota(jnp.int32, (SPF_, 128), 1)
        p_scr[...] = (s // HOP_ == f).astype(jnp.float32)

    xb = x_ref[...]
    pmat = p_scr[...]

    def fsum(v):
        hi = v.astype(jnp.bfloat16).astype(jnp.float32)
        r1 = v - hi
        mid = r1.astype(jnp.bfloat16).astype(jnp.float32)
        lo = r1 - mid
        d = lambda a: jnp.dot(a, pmat, preferred_element_type=jnp.float32)
        return ((d(hi) + d(mid)) + d(lo))

    m_scr[pl.ds(i * BLK_A, BLK_A), :] = fsum(xb) / 80.0
    e_scr[pl.ds(i * BLK_A, BLK_A), :] = fsum(xb * xb) / 80.0

    @pl.when(i == (ROWS_ // BLK_A) - 1)
    def _():
        m = m_scr[...]
        e = e_scr[...]
        ebits = lax.bitcast_convert_type(e, jnp.int32)

        def bs_body(_, lohi):
            lo, hi = lohi
            mid = lo + (hi - lo) // 2
            cnt = jnp.sum((ebits <= mid).astype(jnp.int32))
            pred = cnt >= (T_ // 2)
            return (jnp.where(pred, lo, mid + 1), jnp.where(pred, mid, hi))

        lo, hi = lax.fori_loop(0, 31, bs_body, (jnp.int32(0), jnp.int32(2**31 - 1)))
        v1 = lo
        c1 = jnp.sum((ebits <= v1).astype(jnp.int32))
        minabove = jnp.min(jnp.where(ebits > v1, ebits, jnp.int32(2**31 - 1)))
        b_bits = jnp.where(c1 >= (T_ // 2) + 1, v1, minabove)
        a_val = lax.bitcast_convert_type(v1, jnp.float32)
        b_val = lax.bitcast_convert_type(b_bits, jnp.float32)
        med = a_val * 0.5 + b_val * 0.5
        thr = med * 0.5

        vuv = (e > thr).astype(jnp.float32)
        raw = 100.0 + 200.0 * jax.nn.sigmoid(m * 4.0)
        f0 = raw * vuv
        nv = jnp.maximum(jnp.sum(vuv), 1.0)
        mean = jnp.sum(jnp.where(vuv != 0, f0, 0.0)) / nv
        f0n = jnp.where(f0 != 0, f0 - mean, f0)

        f0p_ref[...] = jnp.zeros((1, T_ + 128), jnp.float32)
        vuvp_ref[...] = jnp.zeros((1, T_ + 128), jnp.float32)
        f0p_ref[:, 1:T_ + 1] = f0n.reshape(1, T_)
        vuvp_ref[:, 1:T_ + 1] = vuv.reshape(1, T_)

        dec_tab = jnp.dot(cb_ref[...], wd_ref[...],
                          preferred_element_type=jnp.float32)
        tab_ref[...] = jnp.zeros((K_ + 8, 8), jnp.float32)
        tab_ref[0:K_, 0:4] = dec_tab


def _vq_body(f0p_ref, vuvp_ref, w8_ref, cb_ref, cbm2_ref, out_ref):
    i = pl.program_id(0)
    base = pl.multiple_of(i * BLK_C, 128)
    f0w = f0p_ref[:, pl.ds(base, BLK_C + 128)]
    vuw = vuvp_ref[:, pl.ds(base, BLK_C + 128)]
    rows = [f0w[:, j:BLK_C + j] for j in range(4)]
    rows += [vuw[:, j:BLK_C + j] for j in range(4)]
    x8 = jnp.concatenate(rows, axis=0)
    ze_t = jnp.dot(w8_ref[...], x8,
                   preferred_element_type=jnp.float32)
    s2_t = jnp.dot(cbm2_ref[...], ze_t,
                   preferred_element_type=jnp.float32)
    ze2 = jnp.sum(ze_t * ze_t, axis=0)
    c2 = jnp.sum(cb_ref[...] * cb_ref[...], axis=1)
    d_t = (ze2[None, :] + s2_t) + c2[:, None]
    out_ref[0, 0, :] = jnp.argmin(d_t, axis=0).astype(jnp.int32)


def _dec_body(idx_hbm, tab_hbm, out_hbm, idx_v, out_v, tab_v, sem):
    wid = lax.axis_index("s") * 2 + lax.axis_index("c")
    base = wid * BW_
    tab_cp = pltpu.async_copy(tab_hbm, tab_v, sem)
    sent = jnp.full((16,), K_, jnp.int32)
    idx_v[pl.ds(0, 16)] = sent
    idx_v[pl.ds(BW_, 16)] = sent
    idx_v[pl.ds(BW_ + 16, 16)] = sent

    @pl.when(wid == 0)
    def _():
        pltpu.sync_copy(idx_hbm.at[pl.ds(0, BW_ + 8)], idx_v.at[pl.ds(8, BW_ + 8)])

    @pl.when(wid == NW_ - 1)
    def _():
        pltpu.sync_copy(idx_hbm.at[pl.ds(T_ - BW_ - 8, BW_ + 8)],
                        idx_v.at[pl.ds(0, BW_ + 8)])

    @pl.when((wid > 0) & (wid < NW_ - 1))
    def _():
        pltpu.sync_copy(idx_hbm.at[pl.ds(base - 8, BW_ + 16)],
                        idx_v.at[pl.ds(0, BW_ + 16)])

    tab_cp.wait()
    bases = [lax.iota(jnp.int32, 16) + (7 + j) for j in range(4)]
    jvs = [jnp.full((16,), j, jnp.int32) for j in range(4)]

    @plsc.parallel_loop(0, BW_ // 16, unroll=8)
    def _(g):
        off = g * 16
        acc = jnp.zeros((16,), jnp.float32)
        for j in range(4):
            iv = plsc.load_gather(idx_v, [bases[j] + off])
            acc = acc + plsc.load_gather(tab_v, [iv, jvs[j]])
        out_v[pl.ds(off, 16)] = acc

    pltpu.sync_copy(out_v, out_hbm.at[pl.ds(base, BW_)])


def _make_stats():
    return pl.pallas_call(
        _stats_body,
        grid=(ROWS_ // BLK_A,),
        in_specs=[
            pl.BlockSpec((BLK_A, SPF_), lambda i: (i, 0)),
            pl.BlockSpec((K_, CD_), lambda i: (0, 0)),
            pl.BlockSpec((CD_, 4), lambda i: (0, 0)),
        ],
        out_specs=[
            pl.BlockSpec((1, T_ + 128), lambda i: (0, 0)),
            pl.BlockSpec((1, T_ + 128), lambda i: (0, 0)),
            pl.BlockSpec((K_ + 8, 8), lambda i: (0, 0)),
        ],
        out_shape=[
            jax.ShapeDtypeStruct((1, T_ + 128), jnp.float32),
            jax.ShapeDtypeStruct((1, T_ + 128), jnp.float32),
            jax.ShapeDtypeStruct((K_ + 8, 8), jnp.float32),
        ],
        scratch_shapes=[
            pltpu.VMEM((ROWS_, 128), jnp.float32),
            pltpu.VMEM((ROWS_, 128), jnp.float32),
            pltpu.VMEM((SPF_, 128), jnp.float32),
        ],
    )


def _make_vq():
    return pl.pallas_call(
        _vq_body,
        grid=(T_ // BLK_C,),
        in_specs=[
            pl.BlockSpec((1, T_ + 128), lambda i: (0, 0)),
            pl.BlockSpec((1, T_ + 128), lambda i: (0, 0)),
            pl.BlockSpec((CD_, 8), lambda i: (0, 0)),
            pl.BlockSpec((K_, CD_), lambda i: (0, 0)),
            pl.BlockSpec((K_, CD_), lambda i: (0, 0)),
        ],
        out_specs=pl.BlockSpec((1, 1, BLK_C), lambda i: (i, 0, 0)),
        out_shape=jax.ShapeDtypeStruct((T_ // BLK_C, 1, BLK_C), jnp.int32),
    )


def _make_dec():
    return pl.kernel(
        _dec_body,
        out_type=jax.ShapeDtypeStruct((T_,), jnp.float32),
        mesh=plsc.VectorSubcoreMesh(core_axis_name="c", subcore_axis_name="s"),
        compiler_params=pltpu.CompilerParams(needs_layout_passes=False),
        scratch_types=[
            pltpu.VMEM((BW_ + 32, ), jnp.int32),
            pltpu.VMEM((BW_,), jnp.float32),
            pltpu.VMEM((K_ + 8, 8), jnp.float32),
            pltpu.SemaphoreType.DMA,
        ],
    )


def kernel(x, W_enc, codebook, W_dec):
    x2 = x.reshape(ROWS_, SPF_)
    w8 = W_enc.reshape(CD_, 8)
    wd0 = W_dec[0]
    f0p, vuvp, tab = _make_stats()(x2, codebook, wd0)
    idx3 = _make_vq()(f0p, vuvp, w8, codebook, codebook * -2.0)
    idx = idx3.reshape(T_)
    return _make_dec()(idx, tab)

# --- scband reference (transcript-rebuilt; emitter-appended) ---
"""Pipeline reference for scband-f0-tokenizer-33191507264094 (READ-ONLY COPY).

The authoritative reference and input builder live on the scoring server;
editing this copy changes nothing except your own understanding.
"""

import jax, jax.numpy as jnp
import numpy as np

HOP = 80
T = 32768
CODE_DIM = 64
K = 512
KERNEL = 4


def setup_inputs(seed: int = 0) -> dict:
    key = jax.random.key(seed)
    k1, k2, k3, k4 = jax.random.split(key, 4)
    x = jax.random.normal(k1, (T * HOP,), dtype=jnp.float32)
    W_enc = jax.random.normal(k2, (CODE_DIM, 2, KERNEL), dtype=jnp.float32) * 0.1
    codebook = jax.random.normal(k3, (K, CODE_DIM), dtype=jnp.float32)
    W_dec = jax.random.normal(k4, (2, CODE_DIM, KERNEL), dtype=jnp.float32) * 0.1
    return {"x": x, "W_enc": W_enc, "codebook": codebook, "W_dec": W_dec}


def _extract_f0(x):
    # surrogate differentiable f0 extractor: frame waveform, energy-gated pitch
    frames = x.reshape(T, HOP)
    energy = jnp.mean(frames ** 2, axis=1)
    raw_f0 = 100.0 + 200.0 * jax.nn.sigmoid(jnp.mean(frames, axis=1) * 4.0)
    thr = jnp.median(jax.lax.stop_gradient(energy)) * 0.5
    vuv = (energy > thr).astype(jnp.float32)
    f0 = raw_f0 * vuv  # zero where unvoiced
    return f0, vuv


def reference(x, W_enc, codebook, W_dec):
    # forward(x) -> f0 extraction -> quantize_vqvae(f0, vuv)
    f0, vuv = _extract_f0(x)
    # speaker_norm: subtract utterance mean f0 over voiced frames from nonzero f0
    mask = f0 != 0
    vuv_mask = vuv != 0
    n_voiced = jnp.maximum(jnp.sum(vuv_mask.astype(jnp.float32)), 1.0)
    mean = jnp.sum(jnp.where(vuv_mask, f0, 0.0)) / n_voiced
    f0n = jnp.where(mask, f0 - mean, f0)
    # x = stack([f0, vuv]).float().unsqueeze(0)
    xin = jnp.stack([f0n, vuv])[None, :, :]  # [1, 2, T]
    # VQ-VAE encoder (conv1d)
    ze = jax.lax.conv_general_dilated(xin, W_enc, (1,), "SAME", dimension_numbers=("NCH", "OIH", "NCH"))  # [1, CODE_DIM, T]
    ze_t = jnp.transpose(ze[0])  # [T, CODE_DIM]
    # nearest-codebook quantization
    d = (jnp.sum(ze_t ** 2, axis=1, keepdims=True)
         - 2.0 * ze_t @ codebook.T
         + jnp.sum(codebook ** 2, axis=1)[None, :])  # [T, K]
    idx = jnp.argmin(d, axis=1)  # [T]
    zq = jnp.take(codebook, idx, axis=0)  # gather [T, CODE_DIM]
    # straight-through estimator
    zq_st = ze_t + jax.lax.stop_gradient(zq - ze_t)
    # decoder conv1d back to (f0, vuv) channels
    dec_in = jnp.transpose(zq_st)[None, :, :]  # [1, CODE_DIM, T]
    out = jax.lax.conv_general_dilated(dec_in, W_dec, (1,), "SAME", dimension_numbers=("NCH", "OIH", "NCH"))  # [1, 2, T]
    quant_f0 = out[0, 0]  # quant_f0[0].squeeze(0)
    return quant_f0

if __name__ == "__main__":
    import jax
    _d = setup_inputs()
    print(jax.jit(kernel)(*tuple(_d.values())))

</pallas_src>

<mosaic_0001>
#map = affine_map<(d0, d1) -> (0)>
#map1 = affine_map<(d0, d1) -> (0, 0)>
module attributes {stable_mosaic.version = 14 : i64} {
  func.func @_dec_body(%arg0: i32, %arg1: i32, %arg2: memref<32768xi32, #tpu.memory_space<hbm>>, %arg3: memref<520x8xf32, #tpu.memory_space<hbm>>, %arg4: memref<32768xf32, #tpu.memory_space<hbm>>, %arg5: memref<1056xi32, #tpu.memory_space<vmem>>, %arg6: memref<1024xf32, #tpu.memory_space<vmem>>, %arg7: memref<520x8xf32, #tpu.memory_space<vmem>>, %arg8: memref<!tpu.dma_semaphore, #tpu.memory_space<semaphore_mem>>) attributes {dimension_semantics = [#tpu.dimension_semantics<core_parallel>, #tpu.dimension_semantics<subcore_parallel>], iteration_bounds = array<i64: 2, 16>, scalar_prefetch = 0 : i64, scratch_operands = 4 : i64, tpu.core_type = #tpu.core_type<sc_vector_subcore>, window_params = [{transform_indices = #map}, {transform_indices = #map1}, {transform_indices = #map}]} {
    %mul3A = arith.constant 2 : i32
    %mul3A_0 = arith.muli %arg1, %mul3A : i32
    %add3A = arith.addi %mul3A_0, %arg0 : i32
    %mul3A_1 = arith.constant 1024 : i32
    %mul3A_2 = arith.muli %add3A, %mul3A_1 : i32
    tpu.enqueue_dma source(%arg3 : memref<520x8xf32, #tpu.memory_space<hbm>>) target(%arg7 : memref<520x8xf32, #tpu.memory_space<vmem>>) target_semaphore(%arg8 : memref<!tpu.dma_semaphore, #tpu.memory_space<semaphore_mem>>)
    %broadcast_in_dim3A = arith.constant 512 : i32
    %broadcast_in_dim3A_3 = vector.broadcast %broadcast_in_dim3A : i32 to vector<16xi32>
    %swap3A = arith.constant 0 : index
    %swap3A_4 = tpu.vector_load %arg5[%swap3A] {strides = array<i32>} : memref<1056xi32, #tpu.memory_space<vmem>>, vector<16xi32>,
    tpu.vector_store %arg5[%swap3A], %broadcast_in_dim3A_3 {strides = array<i32>} : memref<1056xi32, #tpu.memory_space<vmem>>, vector<16xi32>,
    %swap3A_5 = arith.constant 1024 : index
    %swap3A_6 = tpu.vector_load %arg5[%swap3A_5] {strides = array<i32>} : memref<1056xi32, #tpu.memory_space<vmem>>, vector<16xi32>,
    tpu.vector_store %arg5[%swap3A_5], %broadcast_in_dim3A_3 {strides = array<i32>} : memref<1056xi32, #tpu.memory_space<vmem>>, vector<16xi32>,
    %swap3A_7 = arith.constant 1040 : index
    %swap3A_8 = tpu.vector_load %arg5[%swap3A_7] {strides = array<i32>} : memref<1056xi32, #tpu.memory_space<vmem>>, vector<16xi32>,
    tpu.vector_store %arg5[%swap3A_7], %broadcast_in_dim3A_3 {strides = array<i32>} : memref<1056xi32, #tpu.memory_space<vmem>>, vector<16xi32>,
    %eq3A = arith.constant 0 : i32
    %eq3A_9 = arith.cmpi eq, %add3A, %eq3A : i32
    %convert_element_type3A = arith.extui %eq3A_9 : i1 to i32
    %cond3A = arith.constant 0 : i32
    %cond3A_10 = arith.cmpi ne, %convert_element_type3A, %cond3A : i32
    scf.if %cond3A_10 {
      "tpu.region"() ({
        %run_scoped3A = tpu.sem_alloc : memref<!tpu.dma_semaphore, #tpu.memory_space<semaphore_mem>>
        %dma_start3A = arith.constant 8 : i32
        %dma_start3A_46 = tpu.memref_slice %arg5[%dma_start3A] : memref<1056xi32, #tpu.memory_space<vmem>> -> memref<1032xi32, #tpu.memory_space<vmem>>
        %dma_start3A_47 = arith.constant 0 : i32
        %dma_start3A_48 = tpu.memref_slice %arg2[%dma_start3A_47] : memref<32768xi32, #tpu.memory_space<hbm>> -> memref<1032xi32, #tpu.memory_space<hbm>>
        %dma_start3A_49 = arith.constant 8 : i32
        %dma_start3A_50 = tpu.memref_slice %arg5[%dma_start3A_49] : memref<1056xi32, #tpu.memory_space<vmem>> -> memref<1032xi32, #tpu.memory_space<vmem>>
        %dma_start3A_51 = arith.constant 0 : i32
        %dma_start3A_52 = tpu.memref_slice %arg2[%dma_start3A_51] : memref<32768xi32, #tpu.memory_space<hbm>> -> memref<1032xi32, #tpu.memory_space<hbm>>
        tpu.enqueue_dma source(%dma_start3A_52 : memref<1032xi32, #tpu.memory_space<hbm>>) target(%dma_start3A_50 : memref<1032xi32, #tpu.memory_space<vmem>>) target_semaphore(%run_scoped3A : memref<!tpu.dma_semaphore, #tpu.memory_space<semaphore_mem>>)
        %dma_wait3A = arith.constant 8 : i32
        %dma_wait3A_53 = tpu.memref_slice %arg5[%dma_wait3A] : memref<1056xi32, #tpu.memory_space<vmem>> -> memref<1032xi32, #tpu.memory_space<vmem>>
        %dma_wait3A_54 = arith.constant 0 : i32
        %dma_wait3A_55 = tpu.memref_slice %arg2[%dma_wait3A_54] : memref<32768xi32, #tpu.memory_space<hbm>> -> memref<1032xi32, #tpu.memory_space<hbm>>
        %dma_wait3A_56 = arith.constant 8 : i32
        %dma_wait3A_57 = tpu.memref_slice %arg5[%dma_wait3A_56] : memref<1056xi32, #tpu.memory_space<vmem>> -> memref<1032xi32, #tpu.memory_space<vmem>>
        %dma_wait3A_58 = arith.constant 0 : i32
        %dma_wait3A_59 = tpu.memref_slice %arg2[%dma_wait3A_58] : memref<32768xi32, #tpu.memory_space<hbm>> -> memref<1032xi32, #tpu.memory_space<hbm>>
        tpu.wait_dma2 semaphore(%run_scoped3A : memref<!tpu.dma_semaphore, #tpu.memory_space<semaphore_mem>>) src(%dma_wait3A_59 : memref<1032xi32, #tpu.memory_space<hbm>>) dst(%dma_wait3A_57 : memref<1032xi32, #tpu.memory_space<vmem>>)
        tpu.yield
      }) : () -> ()
    } else {
    }
    %eq3A_11 = arith.constant 31 : i32
    %eq3A_12 = arith.cmpi eq, %add3A, %eq3A_11 : i32
    %convert_element_type3A_13 = arith.extui %eq3A_12 : i1 to i32
    %cond3A_14 = arith.constant 0 : i32
    %cond3A_15 = arith.cmpi ne, %convert_element_type3A_13, %cond3A_14 : i32
    scf.if %cond3A_15 {
      "tpu.region"() ({
        %run_scoped3A = tpu.sem_alloc : memref<!tpu.dma_semaphore, #tpu.memory_space<semaphore_mem>>
        %dma_start3A = arith.constant 0 : i32
        %dma_start3A_46 = tpu.memref_slice %arg5[%dma_start3A] : memref<1056xi32, #tpu.memory_space<vmem>> -> memref<1032xi32, #tpu.memory_space<vmem>>
        %dma_start3A_47 = arith.constant 31736 : i32
        %dma_start3A_48 = tpu.memref_slice %arg2[%dma_start3A_47] : memref<32768xi32, #tpu.memory_space<hbm>> -> memref<1032xi32, #tpu.memory_space<hbm>>
        %dma_start3A_49 = arith.constant 0 : i32
        %dma_start3A_50 = tpu.memref_slice %arg5[%dma_start3A_49] : memref<1056xi32, #tpu.memory_space<vmem>> -> memref<1032xi32, #tpu.memory_space<vmem>>
        %dma_start3A_51 = arith.constant 31736 : i32
        %dma_start3A_52 = tpu.memref_slice %arg2[%dma_start3A_51] : memref<32768xi32, #tpu.memory_space<hbm>> -> memref<1032xi32, #tpu.memory_space<hbm>>
        tpu.enqueue_dma source(%dma_start3A_52 : memref<1032xi32, #tpu.memory_space<hbm>>) target(%dma_start3A_50 : memref<1032xi32, #tpu.memory_space<vmem>>) target_semaphore(%run_scoped3A : memref<!tpu.dma_semaphore, #tpu.memory_space<semaphore_mem>>)
        %dma_wait3A = arith.constant 0 : i32
        %dma_wait3A_53 = tpu.memref_slice %arg5[%dma_wait3A] : memref<1056xi32, #tpu.memory_space<vmem>> -> memref<1032xi32, #tpu.memory_space<vmem>>
        %dma_wait3A_54 = arith.constant 31736 : i32
        %dma_wait3A_55 = tpu.memref_slice %arg2[%dma_wait3A_54] : memref<32768xi32, #tpu.memory_space<hbm>> -> memref<1032xi32, #tpu.memory_space<hbm>>
        %dma_wait3A_56 = arith.constant 0 : i32
        %dma_wait3A_57 = tpu.memref_slice %arg5[%dma_wait3A_56] : memref<1056xi32, #tpu.memory_space<vmem>> -> memref<1032xi32, #tpu.memory_space<vmem>>
        %dma_wait3A_58 = arith.constant 31736 : i32
        %dma_wait3A_59 = tpu.memref_slice %arg2[%dma_wait3A_58] : memref<32768xi32, #tpu.memory_space<hbm>> -> memref<1032xi32, #tpu.memory_space<hbm>>
        tpu.wait_dma2 semaphore(%run_scoped3A : memref<!tpu.dma_semaphore, #tpu.memory_space<semaphore_mem>>) src(%dma_wait3A_59 : memref<1032xi32, #tpu.memory_space<hbm>>) dst(%dma_wait3A_57 : memref<1032xi32, #tpu.memory_space<vmem>>)
        tpu.yield
      }) : () -> ()
    } else {
    }
    %gt3A = arith.constant 0 : i32
    %gt3A_16 = arith.cmpi sgt, %add3A, %gt3A : i32
    %lt3A = arith.constant 31 : i32
    %lt3A_17 = arith.cmpi slt, %add3A, %lt3A : i32
    %and3A = arith.andi %gt3A_16, %lt3A_17 : i1
    %convert_element_type3A_18 = arith.extui %and3A : i1 to i32
    %cond3A_19 = arith.constant 0 : i32
    %cond3A_20 = arith.cmpi ne, %convert_element_type3A_18, %cond3A_19 : i32
    scf.if %cond3A_20 {
      %sub3A = arith.constant 8 : i32
      %sub3A_46 = arith.subi %mul3A_2, %sub3A : i32
      "tpu.region"() ({
        %run_scoped3A = tpu.sem_alloc : memref<!tpu.dma_semaphore, #tpu.memory_space<semaphore_mem>>
        %dma_start3A = arith.constant 0 : i32
        %dma_start3A_47 = tpu.memref_slice %arg5[%dma_start3A] : memref<1056xi32, #tpu.memory_space<vmem>> -> memref<1040xi32, #tpu.memory_space<vmem>>
        %dma_start3A_48 = tpu.memref_slice %arg2[%sub3A_46] : memref<32768xi32, #tpu.memory_space<hbm>> -> memref<1040xi32, #tpu.memory_space<hbm>>
        %dma_start3A_49 = arith.constant 0 : i32
        %dma_start3A_50 = tpu.memref_slice %arg5[%dma_start3A_49] : memref<1056xi32, #tpu.memory_space<vmem>> -> memref<1040xi32, #tpu.memory_space<vmem>>
        %dma_start3A_51 = tpu.memref_slice %arg2[%sub3A_46] : memref<32768xi32, #tpu.memory_space<hbm>> -> memref<1040xi32, #tpu.memory_space<hbm>>
        tpu.enqueue_dma source(%dma_start3A_51 : memref<1040xi32, #tpu.memory_space<hbm>>) target(%dma_start3A_50 : memref<1040xi32, #tpu.memory_space<vmem>>) target_semaphore(%run_scoped3A : memref<!tpu.dma_semaphore, #tpu.memory_space<semaphore_mem>>)
        %dma_wait3A = arith.constant 0 : i32
        %dma_wait3A_52 = tpu.memref_slice %arg5[%dma_wait3A] : memref<1056xi32, #tpu.memory_space<vmem>> -> memref<1040xi32, #tpu.memory_space<vmem>>
        %dma_wait3A_53 = tpu.memref_slice %arg2[%sub3A_46] : memref<32768xi32, #tpu.memory_space<hbm>> -> memref<1040xi32, #tpu.memory_space<hbm>>
        %dma_wait3A_54 = arith.constant 0 : i32
        %dma_wait3A_55 = tpu.memref_slice %arg5[%dma_wait3A_54] : memref<1056xi32, #tpu.memory_space<vmem>> -> memref<1040xi32, #tpu.memory_space<vmem>>
        %dma_wait3A_56 = tpu.memref_slice %arg2[%sub3A_46] : memref<32768xi32, #tpu.memory_space<hbm>> -> memref<1040xi32, #tpu.memory_space<hbm>>
        tpu.wait_dma2 semaphore(%run_scoped3A : memref<!tpu.dma_semaphore, #tpu.memory_space<semaphore_mem>>) src(%dma_wait3A_56 : memref<1040xi32, #tpu.memory_space<hbm>>) dst(%dma_wait3A_55 : memref<1040xi32, #tpu.memory_space<vmem>>)
        tpu.yield
      }) : () -> ()
    } else {
    }
    tpu.wait_dma2 semaphore(%arg8 : memref<!tpu.dma_semaphore, #tpu.memory_space<semaphore_mem>>) src(%arg3 : memref<520x8xf32, #tpu.memory_space<hbm>>) dst(%arg7 : memref<520x8xf32, #tpu.memory_space<vmem>>)
    %iota3A = tpu.iota {dimensions = array<i32: 0>} : vector<16xi32>
    %add3A_21 = arith.constant 7 : i32
    %add3A_22 = vector.broadcast %add3A_21 : i32 to vector<16xi32>
    %add3A_23 = arith.addi %iota3A, %add3A_22 : vector<16xi32>
    %iota3A_24 = tpu.iota {dimensions = array<i32: 0>} : vector<16xi32>
    %add3A_25 = arith.constant 8 : i32
    %add3A_26 = vector.broadcast %add3A_25 : i32 to vector<16xi32>
    %add3A_27 = arith.addi %iota3A_24, %add3A_26 : vector<16xi32>
    %iota3A_28 = tpu.iota {dimensions = array<i32: 0>} : vector<16xi32>
    %add3A_29 = arith.constant 9 : i32
    %add3A_30 = vector.broadcast %add3A_29 : i32 to vector<16xi32>
    %add3A_31 = arith.addi %iota3A_28, %add3A_30 : vector<16xi32>
    %iota3A_32 = tpu.iota {dimensions = array<i32: 0>} : vector<16xi32>
    %add3A_33 = arith.constant 10 : i32
    %add3A_34 = vector.broadcast %add3A_33 : i32 to vector<16xi32>
    %add3A_35 = arith.addi %iota3A_32, %add3A_34 : vector<16xi32>
    %broadcast_in_dim3A_36 = arith.constant 0 : i32
    %broadcast_in_dim3A_37 = vector.broadcast %broadcast_in_dim3A_36 : i32 to vector<16xi32>
    %broadcast_in_dim3A_38 = arith.constant 1 : i32
    %broadcast_in_dim3A_39 = vector.broadcast %broadcast_in_dim3A_38 : i32 to vector<16xi32>
    %broadcast_in_dim3A_40 = arith.constant 2 : i32
    %broadcast_in_dim3A_41 = vector.broadcast %broadcast_in_dim3A_40 : i32 to vector<16xi32>
    %broadcast_in_dim3A_42 = arith.constant 3 : i32
    %broadcast_in_dim3A_43 = vector.broadcast %broadcast_in_dim3A_42 : i32 to vector<16xi32>
    %parallel_loop3A = arith.constant 0 : i32
    %parallel_loop3A_44 = arith.constant 64 : i32
    %parallel_loop3A_45 = arith.constant 1 : i32
    scf.for %parallel_loop3A_46 = %parallel_loop3A to %parallel_loop3A_44 step %parallel_loop3A_45  : i32 {
      %parallel_loop3A_47 = arith.constant 16 : i32
      %parallel_loop3A_48 = arith.muli %parallel_loop3A_46, %parallel_loop3A_47 : i32
      %parallel_loop3A_49 = arith.constant 0.000000e+00 : f32
      %parallel_loop3A_50 = vector.broadcast %parallel_loop3A_49 : f32 to vector<16xf32>
      %parallel_loop3A_51 = vector.broadcast %parallel_loop3A_48 : i32 to vector<16xi32>
      %parallel_loop3A_52 = arith.addi %add3A_23, %parallel_loop3A_51 : vector<16xi32>
      %parallel_loop3A_53 = tpu.vector_load_idx %arg5[%parallel_loop3A_52] : memref<1056xi32, #tpu.memory_space<vmem>>[vector<16xi32>], vector<16xi32>,
      %parallel_loop3A_54 = tpu.vector_load_idx %arg7[%parallel_loop3A_53, %broadcast_in_dim3A_37] : memref<520x8xf32, #tpu.memory_space<vmem>>[vector<16xi32>, vector<16xi32>], vector<16xf32>,
      %parallel_loop3A_55 = arith.addf %parallel_loop3A_50, %parallel_loop3A_54 : vector<16xf32>
      %parallel_loop3A_56 = vector.broadcast %parallel_loop3A_48 : i32 to vector<16xi32>
      %parallel_loop3A_57 = arith.addi %add3A_27, %parallel_loop3A_56 : vector<16xi32>
      %parallel_loop3A_58 = tpu.vector_load_idx %arg5[%parallel_loop3A_57] : memref<1056xi32, #tpu.memory_space<vmem>>[vector<16xi32>], vector<16xi32>,
      %parallel_loop3A_59 = tpu.vector_load_idx %arg7[%parallel_loop3A_58, %broadcast_in_dim3A_39] : memref<520x8xf32, #tpu.memory_space<vmem>>[vector<16xi32>, vector<16xi32>], vector<16xf32>,
      %parallel_loop3A_60 = arith.addf %parallel_loop3A_55, %parallel_loop3A_59 : vector<16xf32>
      %parallel_loop3A_61 = vector.broadcast %parallel_loop3A_48 : i32 to vector<16xi32>
      %parallel_loop3A_62 = arith.addi %add3A_31, %parallel_loop3A_61 : vector<16xi32>
      %parallel_loop3A_63 = tpu.vector_load_idx %arg5[%parallel_loop3A_62] : memref<1056xi32, #tpu.memory_space<vmem>>[vector<16xi32>], vector<16xi32>,
      %parallel_loop3A_64 = tpu.vector_load_idx %arg7[%parallel_loop3A_63, %broadcast_in_dim3A_41] : memref<520x8xf32, #tpu.memory_space<vmem>>[vector<16xi32>, vector<16xi32>], vector<16xf32>,
      %parallel_loop3A_65 = arith.addf %parallel_loop3A_60, %parallel_loop3A_64 : vector<16xf32>
      %parallel_loop3A_66 = vector.broadcast %parallel_loop3A_48 : i32 to vector<16xi32>
      %parallel_loop3A_67 = arith.addi %add3A_35, %parallel_loop3A_66 : vector<16xi32>
      %parallel_loop3A_68 = tpu.vector_load_idx %arg5[%parallel_loop3A_67] : memref<1056xi32, #tpu.memory_space<vmem>>[vector<16xi32>], vector<16xi32>,
      %parallel_loop3A_69 = tpu.vector_load_idx %arg7[%parallel_loop3A_68, %broadcast_in_dim3A_43] : memref<520x8xf32, #tpu.memory_space<vmem>>[vector<16xi32>, vector<16xi32>], vector<16xf32>,
      %parallel_loop3A_70 = arith.addf %parallel_loop3A_65, %parallel_loop3A_69 : vector<16xf32>
      %parallel_loop3A_71 = arith.index_cast %parallel_loop3A_48 : i32 to index
      %parallel_loop3A_72 = tpu.vector_load %arg6[%parallel_loop3A_71] {strides = array<i32>} : memref<1024xf32, #tpu.memory_space<vmem>>, vector<16xf32>,
      tpu.vector_store %arg6[%parallel_loop3A_71], %parallel_loop3A_70 {strides = array<i32>} : memref<1024xf32, #tpu.memory_space<vmem>>, vector<16xf32>,
    } {sc.loop_unroll_factor = 8 : i64, sc.parallel_access}
    "tpu.region"() ({
      %run_scoped3A = tpu.sem_alloc : memref<!tpu.dma_semaphore, #tpu.memory_space<semaphore_mem>>
      %dma_start3A = tpu.memref_slice %arg4[%mul3A_2] : memref<32768xf32, #tpu.memory_space<hbm>> -> memref<1024xf32, #tpu.memory_space<hbm>>
      %dma_start3A_46 = tpu.memref_slice %arg4[%mul3A_2] : memref<32768xf32, #tpu.memory_space<hbm>> -> memref<1024xf32, #tpu.memory_space<hbm>>
      tpu.enqueue_dma source(%arg6 : memref<1024xf32, #tpu.memory_space<vmem>>) target(%dma_start3A_46 : memref<1024xf32, #tpu.memory_space<hbm>>) target_semaphore(%run_scoped3A : memref<!tpu.dma_semaphore, #tpu.memory_space<semaphore_mem>>)
      %dma_wait3A = tpu.memref_slice %arg4[%mul3A_2] : memref<32768xf32, #tpu.memory_space<hbm>> -> memref<1024xf32, #tpu.memory_space<hbm>>
      %dma_wait3A_47 = tpu.memref_slice %arg4[%mul3A_2] : memref<32768xf32, #tpu.memory_space<hbm>> -> memref<1024xf32, #tpu.memory_space<hbm>>
      tpu.wait_dma2 semaphore(%run_scoped3A : memref<!tpu.dma_semaphore, #tpu.memory_space<semaphore_mem>>) src(%arg6 : memref<1024xf32, #tpu.memory_space<vmem>>) dst(%dma_wait3A_47 : memref<1024xf32, #tpu.memory_space<hbm>>)
      tpu.yield
    }) : () -> ()
    return
  }
}

module attributes {stable_mosaic.version = 14 : i64} {
  func.func @_stats_body(%arg0: i32, %arg1: memref<64x10240xf32, #tpu.memory_space<vmem>>, %arg2: memref<512x64xf32, #tpu.memory_space<vmem>>, %arg3: memref<64x4xf32, #tpu.memory_space<vmem>>, %arg4: memref<1x32896xf32, #tpu.memory_space<vmem>>, %arg5: memref<1x32896xf32, #tpu.memory_space<vmem>>, %arg6: memref<520x8xf32, #tpu.memory_space<vmem>>, %arg7: memref<256x128xf32, #tpu.memory_space<vmem>>, %arg8: memref<256x128xf32, #tpu.memory_space<vmem>>, %arg9: memref<10240x128xf32, #tpu.memory_space<vmem>>) attributes {dimension_semantics = [#tpu.dimension_semantics<arbitrary>], iteration_bounds = array<i64: 4>, scalar_prefetch = 0 : i64, scratch_operands = 3 : i64, tpu.core_type = #tpu.core_type<tc>, window_params = [{transform_indices = @transform_0, window_bounds = array<i64: 64, 10240>}, {pipeline_mode = #tpu.pipeline_mode<synchronous>, transform_indices = @transform_1, window_bounds = array<i64: 512, 64>}, {pipeline_mode = #tpu.pipeline_mode<synchronous>, transform_indices = @transform_2, window_bounds = array<i64: 64, 4>}, {pipeline_mode = #tpu.pipeline_mode<synchronous>, transform_indices = @transform_3, window_bounds = array<i64: 1, 32896>}, {pipeline_mode = #tpu.pipeline_mode<synchronous>, transform_indices = @transform_4, window_bounds = array<i64: 1, 32896>}, {pipeline_mode = #tpu.pipeline_mode<synchronous>, transform_indices = @transform_5, window_bounds = array<i64: 520, 8>}]} {
    %eq3A = arith.constant 0 : i32
    %eq3A_0 = arith.cmpi eq, %arg0, %eq3A : i32
    %convert_element_type3A = arith.extui %eq3A_0 : i1 to i32
    %cond3A = arith.constant 0 : i32
    %cond3A_1 = arith.cmpi ne, %convert_element_type3A, %cond3A : i32
    scf.if %cond3A_1 {
      %iota3A = tpu.iota {dimensions = array<i32: 0>} : vector<10240x128xi32>
      %iota3A_51 = tpu.iota {dimensions = array<i32: 1>} : vector<10240x128xi32>
      %jit3A = arith.constant 80 : i32
      %div3A_52 = vector.broadcast %jit3A : i32 to vector<10240x128xi32>
      %div3A_53 = arith.divsi %iota3A, %div3A_52 : vector<10240x128xi32>
      %sign3A = arith.constant 0 : i32
      %sign3A_54 = vector.broadcast %sign3A : i32 to vector<10240x128xi32>
      %sign3A_55 = arith.cmpi sgt, %iota3A, %sign3A_54 : vector<10240x128xi32>
      %sign3A_56 = arith.extui %sign3A_55 : vector<10240x128xi1> to vector<10240x128xi32>
      %sign3A_57 = arith.constant 0 : i32
      %sign3A_58 = vector.broadcast %sign3A_57 : i32 to vector<10240x128xi32>
      %sign3A_59 = arith.cmpi slt, %iota3A, %sign3A_58 : vector<10240x128xi32>
      %sign3A_60 = arith.extui %sign3A_59 : vector<10240x128xi1> to vector<10240x128xi32>
      %sign3A_61 = arith.subi %sign3A_56, %sign3A_60 : vector<10240x128xi32>
      %sign3A_62 = arith.constant 0 : i32
      %sign3A_63 = arith.cmpi sgt, %jit3A, %sign3A_62 : i32
      %sign3A_64 = arith.extui %sign3A_63 : i1 to i32
      %sign3A_65 = arith.constant 0 : i32
      %sign3A_66 = arith.cmpi slt, %jit3A, %sign3A_65 : i32
      %sign3A_67 = arith.extui %sign3A_66 : i1 to i32
      %sign3A_68 = arith.subi %sign3A_64, %sign3A_67 : i32
      %ne3A = vector.broadcast %sign3A_68 : i32 to vector<10240x128xi32>
      %ne3A_69 = arith.cmpi ne, %sign3A_61, %ne3A : vector<10240x128xi32>
      %rem3A = vector.broadcast %jit3A : i32 to vector<10240x128xi32>
      %rem3A_70 = arith.remsi %iota3A, %rem3A : vector<10240x128xi32>
      %ne3A_71 = arith.constant 0 : i32
      %ne3A_72 = vector.broadcast %ne3A_71 : i32 to vector<10240x128xi32>
      %ne3A_73 = arith.cmpi ne, %rem3A_70, %ne3A_72 : vector<10240x128xi32>
      %and3A = arith.andi %ne3A_69, %ne3A_73 : vector<10240x128xi1>
      %sub3A_74 = arith.constant 1 : i32
      %sub3A_75 = vector.broadcast %sub3A_74 : i32 to vector<10240x128xi32>
      %sub3A_76 = arith.subi %div3A_53, %sub3A_75 : vector<10240x128xi32>
      %select_n3A = arith.select %and3A, %sub3A_76, %div3A_53 : vector<10240x128xi1>, vector<10240x128xi32>
      %eq3A_77 = arith.cmpi eq, %select_n3A, %iota3A_51 : vector<10240x128xi32>
      %convert_element_type3A_78 = arith.extui %eq3A_77 : vector<10240x128xi1> to vector<10240x128xi32>
      %convert_element_type3A_79 = arith.sitofp %convert_element_type3A_78 : vector<10240x128xi32> to vector<10240x128xf32>
      %swap3A_80 = arith.constant 0 : index
      %swap3A_81 = arith.constant 0 : index
      %swap3A_82 = vector.load %arg9[%swap3A_80, %swap3A_81] : memref<10240x128xf32, #tpu.memory_space<vmem>>, vector<10240x128xf32>
      tpu.vector_store %arg9[%swap3A_80, %swap3A_81], %convert_element_type3A_79 {strides = array<i32>} : memref<10240x128xf32, #tpu.memory_space<vmem>>, vector<10240x128xf32>,
    } else {
    }
    %get3A = arith.constant 0 : index
    %get3A_2 = arith.constant 0 : index
    %get3A_3 = vector.load %arg1[%get3A, %get3A_2] : memref<64x10240xf32, #tpu.memory_space<vmem>>, vector<64x10240xf32>
    %get3A_4 = arith.constant 0 : index
    %get3A_5 = arith.constant 0 : index
    %get3A_6 = vector.load %arg9[%get3A_4, %get3A_5] : memref<10240x128xf32, #tpu.memory_space<vmem>>, vector<10240x128xf32>
    %convert_element_type3A_7 = arith.truncf %get3A_3 : vector<64x10240xf32> to vector<64x10240xbf16>
    %convert_element_type3A_8 = arith.extf %convert_element_type3A_7 : vector<64x10240xbf16> to vector<64x10240xf32>
    %sub3A = arith.subf %get3A_3, %convert_element_type3A_8 : vector<64x10240xf32>
    %convert_element_type3A_9 = arith.truncf %sub3A : vector<64x10240xf32> to vector<64x10240xbf16>
    %convert_element_type3A_10 = arith.extf %convert_element_type3A_9 : vector<64x10240xbf16> to vector<64x10240xf32>
    %sub3A_11 = arith.subf %sub3A, %convert_element_type3A_10 : vector<64x10240xf32>
    %dot_general3A = arith.constant dense<0.000000e+00> : vector<64x128xf32>
    %dot_general3A_12 = tpu.matmul %convert_element_type3A_8, %get3A_6, %dot_general3A {dimension_numbers = #tpu.dot_dimension_numbers<[1], [0], [0], [1], [0, 0, 1, 1], [], []>, transpose_lhs_hint = false} : vector<64x10240xf32>, vector<10240x128xf32>, vector<64x128xf32> -> vector<64x128xf32>
    %dot_general3A_13 = arith.constant dense<0.000000e+00> : vector<64x128xf32>
    %dot_general3A_14 = tpu.matmul %convert_element_type3A_10, %get3A_6, %dot_general3A_13 {dimension_numbers = #tpu.dot_dimension_numbers<[1], [0], [0], [1], [0, 0, 1, 1], [], []>, transpose_lhs_hint = false} : vector<64x10240xf32>, vector<10240x128xf32>, vector<64x128xf32> -> vector<64x128xf32>
    %add3A = arith.addf %dot_general3A_12, %dot_general3A_14 : vector<64x128xf32>
    %dot_general3A_15 = arith.constant dense<0.000000e+00> : vector<64x128xf32>
    %dot_general3A_16 = tpu.matmul %sub3A_11, %get3A_6, %dot_general3A_15 {dimension_numbers = #tpu.dot_dimension_numbers<[1], [0], [0], [1], [0, 0, 1, 1], [], []>, transpose_lhs_hint = false} : vector<64x10240xf32>, vector<10240x128xf32>, vector<64x128xf32> -> vector<64x128xf32>
    %add3A_17 = arith.addf %add3A, %dot_general3A_16 : vector<64x128xf32>
    %div3A = arith.constant 8.000000e+01 : f32
    %div3A_18 = vector.broadcast %div3A : f32 to vector<64x128xf32>
    %div3A_19 = arith.divf %add3A_17, %div3A_18 : vector<64x128xf32>
    %mul3A = arith.constant 64 : i32
    %mul3A_20 = arith.muli %arg0, %mul3A : i32
    %swap3A = arith.index_cast %mul3A_20 : i32 to index
    %swap3A_21 = arith.constant 0 : index
    %swap3A_22 = vector.load %arg7[%swap3A, %swap3A_21] : memref<256x128xf32, #tpu.memory_space<vmem>>, vector<64x128xf32>
    tpu.vector_store %arg7[%swap3A, %swap3A_21], %div3A_19 {strides = array<i32>} : memref<256x128xf32, #tpu.memory_space<vmem>>, vector<64x128xf32>,
    %mul3A_23 = arith.mulf %get3A_3, %get3A_3 : vector<64x10240xf32>
    %convert_element_type3A_24 = arith.truncf %mul3A_23 : vector<64x10240xf32> to vector<64x10240xbf16>
    %convert_element_type3A_25 = arith.extf %convert_element_type3A_24 : vector<64x10240xbf16> to vector<64x10240xf32>
    %sub3A_26 = arith.subf %mul3A_23, %convert_element_type3A_25 : vector<64x10240xf32>
    %convert_element_type3A_27 = arith.truncf %sub3A_26 : vector<64x10240xf32> to vector<64x10240xbf16>
    %convert_element_type3A_28 = arith.extf %convert_element_type3A_27 : vector<64x10240xbf16> to vector<64x10240xf32>
    %sub3A_29 = arith.subf %sub3A_26, %convert_element_type3A_28 : vector<64x10240xf32>
    %dot_general3A_30 = arith.constant dense<0.000000e+00> : vector<64x128xf32>
    %dot_general3A_31 = tpu.matmul %convert_element_type3A_25, %get3A_6, %dot_general3A_30 {dimension_numbers = #tpu.dot_dimension_numbers<[1], [0], [0], [1], [0, 0, 1, 1], [], []>, transpose_lhs_hint = false} : vector<64x10240xf32>, vector<10240x128xf32>, vector<64x128xf32> -> vector<64x128xf32>
    %dot_general3A_32 = arith.constant dense<0.000000e+00> : vector<64x128xf32>
    %dot_general3A_33 = tpu.matmul %convert_element_type3A_28, %get3A_6, %dot_general3A_32 {dimension_numbers = #tpu.dot_dimension_numbers<[1], [0], [0], [1], [0, 0, 1, 1], [], []>, transpose_lhs_hint = false} : vector<64x10240xf32>, vector<10240x128xf32>, vector<64x128xf32> -> vector<64x128xf32>
    %add3A_34 = arith.addf %dot_general3A_31, %dot_general3A_33 : vector<64x128xf32>
    %dot_general3A_35 = arith.constant dense<0.000000e+00> : vector<64x128xf32>
    %dot_general3A_36 = tpu.matmul %sub3A_29, %get3A_6, %dot_general3A_35 {dimension_numbers = #tpu.dot_dimension_numbers<[1], [0], [0], [1], [0, 0, 1, 1], [], []>, transpose_lhs_hint = false} : vector<64x10240xf32>, vector<10240x128xf32>, vector<64x128xf32> -> vector<64x128xf32>
    %add3A_37 = arith.addf %add3A_34, %dot_general3A_36 : vector<64x128xf32>
    %div3A_38 = arith.constant 8.000000e+01 : f32
    %div3A_39 = vector.broadcast %div3A_38 : f32 to vector<64x128xf32>
    %div3A_40 = arith.divf %add3A_37, %div3A_39 : vector<64x128xf32>
    %mul3A_41 = arith.constant 64 : i32
    %mul3A_42 = arith.muli %arg0, %mul3A_41 : i32
    %swap3A_43 = arith.index_cast %mul3A_42 : i32 to index
    %swap3A_44 = arith.constant 0 : index
    %swap3A_45 = vector.load %arg8[%swap3A_43, %swap3A_44] : memref<256x128xf32, #tpu.memory_space<vmem>>, vector<64x128xf32>
    tpu.vector_store %arg8[%swap3A_43, %swap3A_44], %div3A_40 {strides = array<i32>} : memref<256x128xf32, #tpu.memory_space<vmem>>, vector<64x128xf32>,
    %eq3A_46 = arith.constant 3 : i32
    %eq3A_47 = arith.cmpi eq, %arg0, %eq3A_46 : i32
    %convert_element_type3A_48 = arith.extui %eq3A_47 : i1 to i32
    %cond3A_49 = arith.constant 0 : i32
    %cond3A_50 = arith.cmpi ne, %convert_element_type3A_48, %cond3A_49 : i32
    scf.if %cond3A_50 {
      %get3A_51 = arith.constant 0 : index
      %get3A_52 = arith.constant 0 : index
      %get3A_53 = vector.load %arg7[%get3A_51, %get3A_52] : memref<256x128xf32, #tpu.memory_space<vmem>>, vector<256x128xf32>
      %get3A_54 = arith.constant 0 : index
      %get3A_55 = arith.constant 0 : index
      %get3A_56 = vector.load %arg8[%get3A_54, %get3A_55] : memref<256x128xf32, #tpu.memory_space<vmem>>, vector<256x128xf32>
      %bitcast_convert_type3A = tpu.bitcast %get3A_56 : vector<256x128xf32> -> vector<256x128xi32>
      %scan3A = arith.constant 0 : i32
      %scan3A_57 = arith.constant 2147483647 : i32
      %scan3A_58 = arith.constant 0 : i32
      %scan3A_59 = arith.constant 31 : i32
      %scan3A_60 = arith.addi %scan3A_58, %scan3A_59 : i32
      %scan3A_61 = arith.constant 1 : i32
      %scan3A_62:2 = scf.for %scan3A_160 = %scan3A_58 to %scan3A_60 step %scan3A_61 iter_args(%scan3A_161 = %scan3A, %scan3A_162 = %scan3A_57) -> (i32, i32)  : i32 {
        %sub3A_163 = arith.subi %scan3A_162, %scan3A_161 : i32
        %jit3A_164 = arith.constant 2 : i32
        %div3A_165 = arith.divsi %sub3A_163, %jit3A_164 : i32
        %sign3A = arith.constant 0 : i32
        %sign3A_166 = arith.cmpi sgt, %sub3A_163, %sign3A : i32
        %sign3A_167 = arith.extui %sign3A_166 : i1 to i32
        %sign3A_168 = arith.constant 0 : i32
        %sign3A_169 = arith.cmpi slt, %sub3A_163, %sign3A_168 : i32
        %sign3A_170 = arith.extui %sign3A_169 : i1 to i32
        %sign3A_171 = arith.subi %sign3A_167, %sign3A_170 : i32
        %sign3A_172 = arith.constant 0 : i32
        %sign3A_173 = arith.cmpi sgt, %jit3A_164, %sign3A_172 : i32
        %sign3A_174 = arith.extui %sign3A_173 : i1 to i32
        %sign3A_175 = arith.constant 0 : i32
        %sign3A_176 = arith.cmpi slt, %jit3A_164, %sign3A_175 : i32
        %sign3A_177 = arith.extui %sign3A_176 : i1 to i32
        %sign3A_178 = arith.subi %sign3A_174, %sign3A_177 : i32
        %ne3A_179 = arith.cmpi ne, %sign3A_171, %sign3A_178 : i32
        %rem3A = arith.remsi %sub3A_163, %jit3A_164 : i32
        %ne3A_180 = arith.constant 0 : i32
        %ne3A_181 = arith.cmpi ne, %rem3A, %ne3A_180 : i32
        %and3A = arith.andi %ne3A_179, %ne3A_181 : i1
        %sub3A_182 = arith.constant 1 : i32
        %sub3A_183 = arith.subi %div3A_165, %sub3A_182 : i32
        %select_n3A_184 = arith.select %and3A, %sub3A_183, %div3A_165 : i32
        %add3A_185 = arith.addi %scan3A_161, %select_n3A_184 : i32
        %le3A_186 = vector.broadcast %add3A_185 : i32 to vector<256x128xi32>
        %le3A_187 = arith.cmpi sle, %bitcast_convert_type3A, %le3A_186 : vector<256x128xi32>
        %convert_element_type3A_188 = arith.extui %le3A_187 : vector<256x128xi1> to vector<256x128xi32>
        %reduce_sum3A_189 = vector.shape_cast %convert_element_type3A_188 : vector<256x128xi32> to vector<1x256x128xi32>
        %reduce_sum3A_190 = arith.constant dense<0> : vector<1xi32>
        %reduce_sum3A_191 = vector.multi_reduction <add>, %reduce_sum3A_189, %reduce_sum3A_190 [1, 2] : vector<1x256x128xi32> to vector<1xi32>
        %reduce_sum3A_192 = vector.shape_cast %reduce_sum3A_191 : vector<1xi32> to vector<1x1x1xi32>
        %reduce_sum3A_193 = vector.extract %reduce_sum3A_192[0, 0, 0] : i32 from vector<1x1x1xi32>
        %ge3A_194 = arith.constant 16384 : i32
        %ge3A_195 = arith.cmpi sge, %reduce_sum3A_193, %ge3A_194 : i32
        %add3A_196 = arith.constant 1 : i32
        %add3A_197 = arith.addi %add3A_185, %add3A_196 : i32
        %select_n3A_198 = arith.select %ge3A_195, %scan3A_161, %add3A_197 : i32
        %select_n3A_199 = arith.select %ge3A_195, %add3A_185, %scan3A_162 : i32
        scf.yield %select_n3A_198, %select_n3A_199 : i32, i32
      }
      %le3A = vector.broadcast %scan3A_62#0 : i32 to vector<256x128xi32>
      %le3A_63 = arith.cmpi sle, %bitcast_convert_type3A, %le3A : vector<256x128xi32>
      %convert_element_type3A_64 = arith.extui %le3A_63 : vector<256x128xi1> to vector<256x128xi32>
      %reduce_sum3A = vector.shape_cast %convert_element_type3A_64 : vector<256x128xi32> to vector<1x256x128xi32>
      %reduce_sum3A_65 = arith.constant dense<0> : vector<1xi32>
      %reduce_sum3A_66 = vector.multi_reduction <add>, %reduce_sum3A, %reduce_sum3A_65 [1, 2] : vector<1x256x128xi32> to vector<1xi32>
      %reduce_sum3A_67 = vector.shape_cast %reduce_sum3A_66 : vector<1xi32> to vector<1x1x1xi32>
      %reduce_sum3A_68 = vector.extract %reduce_sum3A_67[0, 0, 0] : i32 from vector<1x1x1xi32>
      %gt3A = vector.broadcast %scan3A_62#0 : i32 to vector<256x128xi32>
      %gt3A_69 = arith.cmpi sgt, %bitcast_convert_type3A, %gt3A : vector<256x128xi32>
      %jit3A = arith.constant 2147483647 : i32
      %broadcast_in_dim3A = vector.broadcast %jit3A : i32 to vector<256x128xi32>
      %select_n3A = arith.select %gt3A_69, %bitcast_convert_type3A, %broadcast_in_dim3A : vector<256x128xi1>, vector<256x128xi32>
      %reduce_min3A = vector.shape_cast %select_n3A : vector<256x128xi32> to vector<1x256x128xi32>
      %reduce_min3A_70 = arith.constant dense<2147483647> : vector<1xi32>
      %reduce_min3A_71 = vector.multi_reduction <minsi>, %reduce_min3A, %reduce_min3A_70 [1, 2] : vector<1x256x128xi32> to vector<1xi32>
      %reduce_min3A_72 = vector.shape_cast %reduce_min3A_71 : vector<1xi32> to vector<1x1x1xi32>
      %reduce_min3A_73 = vector.extract %reduce_min3A_72[0, 0, 0] : i32 from vector<1x1x1xi32>
      %ge3A = arith.constant 16385 : i32
      %ge3A_74 = arith.cmpi sge, %reduce_sum3A_68, %ge3A : i32
      %select_n3A_75 = arith.select %ge3A_74, %scan3A_62#0, %reduce_min3A_73 : i32
      %bitcast_convert_type3A_76 = arith.bitcast %scan3A_62#0 : i32 to f32
      %bitcast_convert_type3A_77 = arith.bitcast %select_n3A_75 : i32 to f32
      %mul3A_78 = arith.constant 5.000000e-01 : f32
      %mul3A_79 = arith.mulf %bitcast_convert_type3A_76, %mul3A_78 : f32
      %mul3A_80 = arith.constant 5.000000e-01 : f32
      %mul3A_81 = arith.mulf %bitcast_convert_type3A_77, %mul3A_80 : f32
      %add3A_82 = arith.addf %mul3A_79, %mul3A_81 : f32
      %mul3A_83 = arith.constant 5.000000e-01 : f32
      %mul3A_84 = arith.mulf %add3A_82, %mul3A_83 : f32
      %gt3A_85 = vector.broadcast %mul3A_84 : f32 to vector<256x128xf32>
      %gt3A_86 = arith.cmpf ogt, %get3A_56, %gt3A_85 : vector<256x128xf32>
      %convert_element_type3A_87 = arith.extui %gt3A_86 : vector<256x128xi1> to vector<256x128xi32>
      %convert_element_type3A_88 = arith.sitofp %convert_element_type3A_87 : vector<256x128xi32> to vector<256x128xf32>
      %mul3A_89 = arith.constant 4.000000e+00 : f32
      %mul3A_90 = vector.broadcast %mul3A_89 : f32 to vector<256x128xf32>
      %mul3A_91 = arith.mulf %get3A_53, %mul3A_90 : vector<256x128xf32>
      %logistic3A = arith.negf %mul3A_91 : vector<256x128xf32>
      %logistic3A_92 = math.exp %logistic3A : vector<256x128xf32>
      %logistic3A_93 = arith.constant 1.000000e+00 : f32
      %logistic3A_94 = vector.broadcast %logistic3A_93 : f32 to vector<256x128xf32>
      %logistic3A_95 = arith.addf %logistic3A_94, %logistic3A_92 : vector<256x128xf32>
      %logistic3A_96 = arith.divf %logistic3A_94, %logistic3A_95 : vector<256x128xf32>
      %mul3A_97 = arith.constant 2.000000e+02 : f32
      %mul3A_98 = vector.broadcast %mul3A_97 : f32 to vector<256x128xf32>
      %mul3A_99 = arith.mulf %mul3A_98, %logistic3A_96 : vector<256x128xf32>
      %add3A_100 = arith.constant 1.000000e+02 : f32
      %add3A_101 = vector.broadcast %add3A_100 : f32 to vector<256x128xf32>
      %add3A_102 = arith.addf %add3A_101, %mul3A_99 : vector<256x128xf32>
      %mul3A_103 = arith.mulf %add3A_102, %convert_element_type3A_88 : vector<256x128xf32>
      %reduce_sum3A_104 = vector.shape_cast %convert_element_type3A_88 : vector<256x128xf32> to vector<1x256x128xf32>
      %reduce_sum3A_105 = arith.constant dense<0.000000e+00> : vector<1xf32>
      %reduce_sum3A_106 = vector.multi_reduction <add>, %reduce_sum3A_104, %reduce_sum3A_105 [1, 2] : vector<1x256x128xf32> to vector<1xf32>
      %reduce_sum3A_107 = vector.shape_cast %reduce_sum3A_106 : vector<1xf32> to vector<1x1x1xf32>
      %reduce_sum3A_108 = vector.extract %reduce_sum3A_107[0, 0, 0] : f32 from vector<1x1x1xf32>
      %max3A = arith.constant 1.000000e+00 : f32
      %max3A_109 = arith.maximumf %reduce_sum3A_108, %max3A : f32
      %ne3A = arith.constant 0.000000e+00 : f32
      %ne3A_110 = vector.broadcast %ne3A : f32 to vector<256x128xf32>
      %ne3A_111 = arith.cmpf one, %convert_element_type3A_88, %ne3A_110 : vector<256x128xf32>
      %jit3A_112 = arith.constant 0.000000e+00 : f32
      %broadcast_in_dim3A_113 = vector.broadcast %jit3A_112 : f32 to vector<256x128xf32>
      %select_n3A_114 = arith.select %ne3A_111, %mul3A_103, %broadcast_in_dim3A_113 : vector<256x128xi1>, vector<256x128xf32>
      %reduce_sum3A_115 = vector.shape_cast %select_n3A_114 : vector<256x128xf32> to vector<1x256x128xf32>
      %reduce_sum3A_116 = arith.constant dense<0.000000e+00> : vector<1xf32>
      %reduce_sum3A_117 = vector.multi_reduction <add>, %reduce_sum3A_115, %reduce_sum3A_116 [1, 2] : vector<1x256x128xf32> to vector<1xf32>
      %reduce_sum3A_118 = vector.shape_cast %reduce_sum3A_117 : vector<1xf32> to vector<1x1x1xf32>
      %reduce_sum3A_119 = vector.extract %reduce_sum3A_118[0, 0, 0] : f32 from vector<1x1x1xf32>
      %div3A_120 = arith.divf %reduce_sum3A_119, %max3A_109 : f32
      %ne3A_121 = arith.constant 0.000000e+00 : f32
      %ne3A_122 = vector.broadcast %ne3A_121 : f32 to vector<256x128xf32>
      %ne3A_123 = arith.cmpf one, %mul3A_103, %ne3A_122 : vector<256x128xf32>
      %sub3A_124 = vector.broadcast %div3A_120 : f32 to vector<256x128xf32>
      %sub3A_125 = arith.subf %mul3A_103, %sub3A_124 : vector<256x128xf32>
      %select_n3A_126 = arith.select %ne3A_123, %sub3A_125, %mul3A_103 : vector<256x128xi1>, vector<256x128xf32>
      %broadcast_in_dim3A_127 = arith.constant 0.000000e+00 : f32
      %broadcast_in_dim3A_128 = vector.broadcast %broadcast_in_dim3A_127 : f32 to vector<1x32896xf32>
      %swap3A_129 = arith.constant 0 : index
      %swap3A_130 = arith.constant 0 : index
      %swap3A_131 = vector.load %arg4[%swap3A_129, %swap3A_130] : memref<1x32896xf32, #tpu.memory_space<vmem>>, vector<1x32896xf32>
      tpu.vector_store %arg4[%swap3A_129, %swap3A_130], %broadcast_in_dim3A_128 {strides = array<i32>} : memref<1x32896xf32, #tpu.memory_space<vmem>>, vector<1x32896xf32>,
      %broadcast_in_dim3A_132 = arith.constant 0.000000e+00 : f32
      %broadcast_in_dim3A_133 = vector.broadcast %broadcast_in_dim3A_132 : f32 to vector<1x32896xf32>
      %swap3A_134 = arith.constant 0 : index
      %swap3A_135 = arith.constant 0 : index
      %swap3A_136 = vector.load %arg5[%swap3A_134, %swap3A_135] : memref<1x32896xf32, #tpu.memory_space<vmem>>, vector<1x32896xf32>
      tpu.vector_store %arg5[%swap3A_134, %swap3A_135], %broadcast_in_dim3A_133 {strides = array<i32>} : memref<1x32896xf32, #tpu.memory_space<vmem>>, vector<1x32896xf32>,
      %reshape3A = vector.shape_cast %select_n3A_126 : vector<256x128xf32> to vector<1x32768xf32>
      %swap3A_137 = arith.constant 0 : index
      %swap3A_138 = arith.constant 1 : index
      %swap3A_139 = vector.load %arg4[%swap3A_137, %swap3A_138] : memref<1x32896xf32, #tpu.memory_space<vmem>>, vector<1x32768xf32>
      tpu.vector_store %arg4[%swap3A_137, %swap3A_138], %reshape3A {strides = array<i32>} : memref<1x32896xf32, #tpu.memory_space<vmem>>, vector<1x32768xf32>,
      %reshape3A_140 = vector.shape_cast %convert_element_type3A_88 : vector<256x128xf32> to vector<1x32768xf32>
      %swap3A_141 = arith.constant 0 : index
      %swap3A_142 = arith.constant 1 : index
      %swap3A_143 = vector.load %arg5[%swap3A_141, %swap3A_142] : memref<1x32896xf32, #tpu.memory_space<vmem>>, vector<1x32768xf32>
      tpu.vector_store %arg5[%swap3A_141, %swap3A_142], %reshape3A_140 {strides = array<i32>} : memref<1x32896xf32, #tpu.memory_space<vmem>>, vector<1x32768xf32>,
      %get3A_144 = arith.constant 0 : index
      %get3A_145 = arith.constant 0 : index
      %get3A_146 = vector.load %arg2[%get3A_144, %get3A_145] : memref<512x64xf32, #tpu.memory_space<vmem>>, vector<512x64xf32>
      %get3A_147 = arith.constant 0 : index
      %get3A_148 = arith.constant 0 : index
      %get3A_149 = vector.load %arg3[%get3A_147, %get3A_148] : memref<64x4xf32, #tpu.memory_space<vmem>>, vector<64x4xf32>
      %dot_general3A_150 = arith.constant dense<0.000000e+00> : vector<512x4xf32>
      %dot_general3A_151 = tpu.matmul %get3A_146, %get3A_149, %dot_general3A_150 {dimension_numbers = #tpu.dot_dimension_numbers<[1], [0], [0], [1], [0, 0, 1, 1], [], []>, transpose_lhs_hint = false} : vector<512x64xf32>, vector<64x4xf32>, vector<512x4xf32> -> vector<512x4xf32>
      %broadcast_in_dim3A_152 = arith.constant 0.000000e+00 : f32
      %broadcast_in_dim3A_153 = vector.broadcast %broadcast_in_dim3A_152 : f32 to vector<520x8xf32>
      %swap3A_154 = arith.constant 0 : index
      %swap3A_155 = arith.constant 0 : index
      %swap3A_156 = vector.load %arg6[%swap3A_154, %swap3A_155] : memref<520x8xf32, #tpu.memory_space<vmem>>, vector<520x8xf32>
      tpu.vector_store %arg6[%swap3A_154, %swap3A_155], %broadcast_in_dim3A_153 {strides = array<i32>} : memref<520x8xf32, #tpu.memory_space<vmem>>, vector<520x8xf32>,
      %swap3A_157 = arith.constant 0 : index
      %swap3A_158 = arith.constant 0 : index
      %swap3A_159 = vector.load %arg6[%swap3A_157, %swap3A_158] : memref<520x8xf32, #tpu.memory_space<vmem>>, vector<512x4xf32>
      tpu.vector_store %arg6[%swap3A_157, %swap3A_158], %dot_general3A_151 {strides = array<i32>} : memref<520x8xf32, #tpu.memory_space<vmem>>, vector<512x4xf32>,
    } else {
    }
    return
  }
  func.func @transform_0(%arg0: i32) -> (i32, i32) {
    %c0_i32 = arith.constant 0 : i32
    %c0_i32_0 = arith.constant 0 : i32
    return %arg0, %c0_i32 : i32, i32
  }
  func.func @transform_1(%arg0: i32) -> (i32, i32) {
    %c0_i32 = arith.constant 0 : i32
    %c0_i32_0 = arith.constant 0 : i32
    %c0_i32_1 = arith.constant 0 : i32
    return %c0_i32, %c0_i32_0 : i32, i32
  }
  func.func @transform_2(%arg0: i32) -> (i32, i32) {
    %c0_i32 = arith.constant 0 : i32
    %c0_i32_0 = arith.constant 0 : i32
    %c0_i32_1 = arith.constant 0 : i32
    return %c0_i32, %c0_i32_0 : i32, i32
  }
  func.func @transform_3(%arg0: i32) -> (i32, i32) {
    %c0_i32 = arith.constant 0 : i32
    %c0_i32_0 = arith.constant 0 : i32
    %c0_i32_1 = arith.constant 0 : i32
    return %c0_i32, %c0_i32_0 : i32, i32
  }
  func.func @transform_4(%arg0: i32) -> (i32, i32) {
    %c0_i32 = arith.constant 0 : i32
    %c0_i32_0 = arith.constant 0 : i32
    %c0_i32_1 = arith.constant 0 : i32
    return %c0_i32, %c0_i32_0 : i32, i32
  }
  func.func @transform_5(%arg0: i32) -> (i32, i32) {
    %c0_i32 = arith.constant 0 : i32
    %c0_i32_0 = arith.constant 0 : i32
    %c0_i32_1 = arith.constant 0 : i32
    return %c0_i32, %c0_i32_0 : i32, i32
  }
}

module attributes {stable_mosaic.version = 14 : i64} {
  func.func @_vq_body(%arg0: i32, %arg1: memref<1x32896xf32, #tpu.memory_space<vmem>>, %arg2: memref<1x32896xf32, #tpu.memory_space<vmem>>, %arg3: memref<64x8xf32, #tpu.memory_space<vmem>>, %arg4: memref<512x64xf32, #tpu.memory_space<vmem>>, %arg5: memref<512x64xf32, #tpu.memory_space<vmem>>, %arg6: memref<1x1x4096xi32, #tpu.memory_space<vmem>>) attributes {dimension_semantics = [#tpu.dimension_semantics<arbitrary>], iteration_bounds = array<i64: 8>, scalar_prefetch = 0 : i64, scratch_operands = 0 : i64, tpu.core_type = #tpu.core_type<tc>, window_params = [{pipeline_mode = #tpu.pipeline_mode<synchronous>, transform_indices = @transform_0, window_bounds = array<i64: 1, 32896>}, {pipeline_mode = #tpu.pipeline_mode<synchronous>, transform_indices = @transform_1, window_bounds = array<i64: 1, 32896>}, {pipeline_mode = #tpu.pipeline_mode<synchronous>, transform_indices = @transform_2, window_bounds = array<i64: 64, 8>}, {pipeline_mode = #tpu.pipeline_mode<synchronous>, transform_indices = @transform_3, window_bounds = array<i64: 512, 64>}, {pipeline_mode = #tpu.pipeline_mode<synchronous>, transform_indices = @transform_4, window_bounds = array<i64: 512, 64>}, {transform_indices = @transform_5, window_bounds = array<i64: 1, 1, 4096>}]} {
    %mul3A = arith.constant 4096 : i32
    %mul3A_0 = arith.muli %arg0, %mul3A : i32
    %multiple_of3A = tpu.assume_multiple %mul3A_0, 128 : i32
    %get3A = arith.constant 0 : index
    %get3A_1 = arith.index_cast %multiple_of3A : i32 to index
    %get3A_2 = vector.load %arg1[%get3A, %get3A_1] : memref<1x32896xf32, #tpu.memory_space<vmem>>, vector<1x4224xf32>
    %get3A_3 = arith.constant 0 : index
    %get3A_4 = arith.index_cast %multiple_of3A : i32 to index
    %get3A_5 = vector.load %arg2[%get3A_3, %get3A_4] : memref<1x32896xf32, #tpu.memory_space<vmem>>, vector<1x4224xf32>
    %slice3A = vector.extract_strided_slice %get3A_2 {offsets = [0, 0], sizes = [1, 4096], strides = [1, 1]} : vector<1x4224xf32> to vector<1x4096xf32>
    %slice3A_6 = vector.extract_strided_slice %get3A_2 {offsets = [0, 1], sizes = [1, 4096], strides = [1, 1]} : vector<1x4224xf32> to vector<1x4096xf32>
    %slice3A_7 = vector.extract_strided_slice %get3A_2 {offsets = [0, 2], sizes = [1, 4096], strides = [1, 1]} : vector<1x4224xf32> to vector<1x4096xf32>
    %slice3A_8 = vector.extract_strided_slice %get3A_2 {offsets = [0, 3], sizes = [1, 4096], strides = [1, 1]} : vector<1x4224xf32> to vector<1x4096xf32>
    %slice3A_9 = vector.extract_strided_slice %get3A_5 {offsets = [0, 0], sizes = [1, 4096], strides = [1, 1]} : vector<1x4224xf32> to vector<1x4096xf32>
    %slice3A_10 = vector.extract_strided_slice %get3A_5 {offsets = [0, 1], sizes = [1, 4096], strides = [1, 1]} : vector<1x4224xf32> to vector<1x4096xf32>
    %slice3A_11 = vector.extract_strided_slice %get3A_5 {offsets = [0, 2], sizes = [1, 4096], strides = [1, 1]} : vector<1x4224xf32> to vector<1x4096xf32>
    %slice3A_12 = vector.extract_strided_slice %get3A_5 {offsets = [0, 3], sizes = [1, 4096], strides = [1, 1]} : vector<1x4224xf32> to vector<1x4096xf32>
    %concatenate3A = tpu.concatenate %slice3A, %slice3A_6, %slice3A_7, %slice3A_8, %slice3A_9, %slice3A_10, %slice3A_11, %slice3A_12 in 0 : vector<1x4096xf32>, vector<1x4096xf32>, vector<1x4096xf32>, vector<1x4096xf32>, vector<1x4096xf32>, vector<1x4096xf32>, vector<1x4096xf32>, vector<1x4096xf32> -> vector<8x4096xf32>
    %get3A_13 = arith.constant 0 : index
    %get3A_14 = arith.constant 0 : index
    %get3A_15 = vector.load %arg3[%get3A_13, %get3A_14] : memref<64x8xf32, #tpu.memory_space<vmem>>, vector<64x8xf32>
    %dot_general3A = arith.constant dense<0.000000e+00> : vector<64x4096xf32>
    %dot_general3A_16 = tpu.matmul %get3A_15, %concatenate3A, %dot_general3A {dimension_numbers = #tpu.dot_dimension_numbers<[1], [0], [0], [1], [0, 0, 1, 1], [], []>, transpose_lhs_hint = false} : vector<64x8xf32>, vector<8x4096xf32>, vector<64x4096xf32> -> vector<64x4096xf32>
    %get3A_17 = arith.constant 0 : index
    %get3A_18 = arith.constant 0 : index
    %get3A_19 = vector.load %arg5[%get3A_17, %get3A_18] : memref<512x64xf32, #tpu.memory_space<vmem>>, vector<512x64xf32>
    %dot_general3A_20 = arith.constant dense<0.000000e+00> : vector<512x4096xf32>
    %dot_general3A_21 = tpu.matmul %get3A_19, %dot_general3A_16, %dot_general3A_20 {dimension_numbers = #tpu.dot_dimension_numbers<[1], [0], [0], [1], [0, 0, 1, 1], [], []>, transpose_lhs_hint = false} : vector<512x64xf32>, vector<64x4096xf32>, vector<512x4096xf32> -> vector<512x4096xf32>
    %mul3A_22 = arith.mulf %dot_general3A_16, %dot_general3A_16 : vector<64x4096xf32>
    %reduce_sum3A = arith.constant dense<0.000000e+00> : vector<4096xf32>
    %reduce_sum3A_23 = vector.multi_reduction <add>, %mul3A_22, %reduce_sum3A [0] : vector<64x4096xf32> to vector<4096xf32>
    %get3A_24 = arith.constant 0 : index
    %get3A_25 = arith.constant 0 : index
    %get3A_26 = vector.load %arg4[%get3A_24, %get3A_25] : memref<512x64xf32, #tpu.memory_space<vmem>>, vector<512x64xf32>
    %get3A_27 = arith.constant 0 : index
    %get3A_28 = arith.constant 0 : index
    %get3A_29 = vector.load %arg4[%get3A_27, %get3A_28] : memref<512x64xf32, #tpu.memory_space<vmem>>, vector<512x64xf32>
    %mul3A_30 = arith.mulf %get3A_26, %get3A_29 : vector<512x64xf32>
    %reduce_sum3A_31 = arith.constant dense<0.000000e+00> : vector<512xf32>
    %reduce_sum3A_32 = vector.multi_reduction <add>, %mul3A_30, %reduce_sum3A_31 [1] : vector<512x64xf32> to vector<512xf32>
    %broadcast_in_dim3A = vector.shape_cast %reduce_sum3A_23 : vector<4096xf32> to vector<1x4096xf32>
    %add3A = vector.broadcast %broadcast_in_dim3A : vector<1x4096xf32> to vector<512x4096xf32>
    %add3A_33 = arith.addf %add3A, %dot_general3A_21 : vector<512x4096xf32>
    %broadcast_in_dim3A_34 = vector.shape_cast %reduce_sum3A_32 : vector<512xf32> to vector<512x1xf32>
    %add3A_35 = vector.broadcast %broadcast_in_dim3A_34 : vector<512x1xf32> to vector<512x4096xf32>
    %add3A_36 = arith.addf %add3A_33, %add3A_35 : vector<512x4096xf32>
    %argmin3A = tpu.reduce_index %add3A_36 {axis = 0 : i32, kind = #tpu.reduction_kind<arg_min>} : vector<512x4096xf32> -> vector<4096xi32>
    %swap3A = arith.constant 0 : index
    %swap3A_37 = arith.constant 0 : index
    %swap3A_38 = arith.constant 0 : index
    %swap3A_39 = vector.load %arg6[%swap3A, %swap3A_37, %swap3A_38] : memref<1x1x4096xi32, #tpu.memory_space<vmem>>, vector<1x1x4096xi32>
    %swap3A_40 = vector.shape_cast %swap3A_39 : vector<1x1x4096xi32> to vector<4096xi32>
    %swap3A_41 = vector.shape_cast %argmin3A : vector<4096xi32> to vector<1x1x4096xi32>
    tpu.vector_store %arg6[%swap3A, %swap3A_37, %swap3A_38], %swap3A_41 {strides = array<i32>} : memref<1x1x4096xi32, #tpu.memory_space<vmem>>, vector<1x1x4096xi32>,
    return
  }
  func.func @transform_0(%arg0: i32) -> (i32, i32) {
    %c0_i32 = arith.constant 0 : i32
    %c0_i32_0 = arith.constant 0 : i32
    %c0_i32_1 = arith.constant 0 : i32
    return %c0_i32, %c0_i32_0 : i32, i32
  }
  func.func @transform_1(%arg0: i32) -> (i32, i32) {
    %c0_i32 = arith.constant 0 : i32
    %c0_i32_0 = arith.constant 0 : i32
    %c0_i32_1 = arith.constant 0 : i32
    return %c0_i32, %c0_i32_0 : i32, i32
  }
  func.func @transform_2(%arg0: i32) -> (i32, i32) {
    %c0_i32 = arith.constant 0 : i32
    %c0_i32_0 = arith.constant 0 : i32
    %c0_i32_1 = arith.constant 0 : i32
    return %c0_i32, %c0_i32_0 : i32, i32
  }
  func.func @transform_3(%arg0: i32) -> (i32, i32) {
    %c0_i32 = arith.constant 0 : i32
    %c0_i32_0 = arith.constant 0 : i32
    %c0_i32_1 = arith.constant 0 : i32
    return %c0_i32, %c0_i32_0 : i32, i32
  }
  func.func @transform_4(%arg0: i32) -> (i32, i32) {
    %c0_i32 = arith.constant 0 : i32
    %c0_i32_0 = arith.constant 0 : i32
    %c0_i32_1 = arith.constant 0 : i32
    return %c0_i32, %c0_i32_0 : i32, i32
  }
  func.func @transform_5(%arg0: i32) -> (i32, i32, i32) {
    %c0_i32 = arith.constant 0 : i32
    %c0_i32_0 = arith.constant 0 : i32
    %c0_i32_1 = arith.constant 0 : i32
    return %arg0, %c0_i32, %c0_i32_0 : i32, i32, i32
  }
}

</mosaic_0001>

<sc_bundles>
// kernel: kernel.5.cloned.1.call-start
scs
__scs_entry_jumppad:
0x0: {  	(pc) =	sbr.rel $0x88, $3  }
0x1: {  	(tag) =	ssettag $0x0;
	lr =	simm.s32 $0x1  }
0x2: {  	[smem:$0x3F9D] =	sst lr;
	_ =	strace $0xD0000000  }
0x3: {  	_ = 	snop  }
0x4: {  	_ = 	snop  }
0x5: {  	_ = 	snop  }
0x6: {  	_ = 	snop  }
0x7: {  	_ = 	snop  }
__scs_overlays_trampoline_lowered:
0x8: {  	[smem:$0x3FAC] =	sst s0  }
0x9: {  	[smem:$0x3FAD] =	sst s1  }
0xa: {  	[smem:$0x3FAE] =	sst s2  }
0xb: {  	[smem:$0x3FAF] =	sst s3  }
0xc: {  	[smem:$0x3FB0] =	sst s4  }
0xd: {  	[smem:$0x3FB1] =	sst s5  }
0xe: {  	[smem:$0x3FB2] =	sst s6  }
0xf: {  	[smem:$0x3FB3] =	sst s7  }
0x10: {  	[smem:$0x3FB4] =	sst s8  }
0x11: {  	[smem:$0x3FB5] =	sst s9;
	s0 =	simm.s32 @!p0 $0x0  }
0x12: {  	s1 =	sld [smem:$0x3F9B];
	s0 =	simm.s32 @p0 $0x1  }
0x13: {  	[smem:$0x3FB6] =	sst s0;
	s0 =	simm.s32 @!p1 $0x0  }
0x14: {  	s2 =	sld [smem:$0x3F9A];
	s0 =	simm.s32 @p1 $0x1  }
0x15: {  	[smem:$0x3FB7] =	sst s0;
	s0 =	simm.s32 @!p2 $0x0  }
0x16: {  	s3 =	sld [smem:$0x3FDB];
	s0 =	simm.s32 @p2 $0x1  }
0x17: {  	s4 =	simm.s32 $0x1BF5;
	[smem:$0x3FB9] =	sst s0  }
0x18: {  	s0 =	sld [smem:$0x3F9C];
	_ =	swait.ge [sflag:s4], $0x0  }
0x19: {  	s7 =	sld [smem:$0x3F9D]  }
0x1a: {  	s8 =	sadd.s32 $0xFFFFE003, lr  }
0x1b: {  	s9 =	sadd.s32 $0xFFFFFEF7, lr;
	s5 =	simm.s32 $0xFFFFFFFF;
	p2 =	slt.u32 s8, $0xFFFFF086  }
0x1c: {  	p1 =	slt.u32 s9, $0xF7A;
	s5 =	simm.s32 @!p2 $0x0  }
0x1d: {  	s5 =	simm.s32 @p1 $0x1;
	p0 =	seq.s32 s7, s2  }
0x1e: {  	s7 =	smul.u32 @!p0 $0xF7A, s2;
	p2 =	seq.s32 @!p0 s5, $0x0  }
0x1f: {  	s9 =	smul.u32 $0xF7A, s1;
	s8 =	simm.s32 @!p0 $0x1BF5;
	p2 =	por !p2, p0  }
0x20: {  	[sflag:s8] =	ssyncset.s32 @!p0 $0xFFFFF086;
	s6 =	sadd.s32 @!p0 s3, s7;
	s7 =	simm.s32 @!p0 $0x108  }
0x21: {  	s3 =	sadd.s32 s3, s9;
	s6 =	sadd.s32 @!p0 $0x88, s6;
	s7 =	simm.s32 @p2 $0x1082  }
0x22: {  	[simem:s7], [sflag:s8] =	dma.local @!p0 [hbm:s6], $0xF7A  }
0x23: {  	s9 =	sor.u32 $0xD0000000, s2;
	s6 =	simm.s32 $0x108;
	_ =	swait.ge @!p0 [sflag:s8], $0x0  }
0x24: {  	s3 =	sadd.s32 $0x88, s3;
	s6 =	simm.s32 @!p1 $0x1082;
	[sflag:s4] =	ssyncset.s32 $0xFFFFF086  }
0x25: {  	[simem:s6], [sflag:s4] =	dma.local [hbm:s3], $0xF7A  }
0x26: {  	[smem:$0x3F9D] =	sst s1;
	(tag) =	ssettag s2;
	_ =	strace s9  }
0x27: {  	s1 =	sld [smem:$0x3FAD]  }
0x28: {  	s2 =	sld [smem:$0x3FAE]  }
0x29: {  	s4 =	sld [smem:$0x3FB0]  }
0x2a: {  	p0 =	seq.s32 s5, $0x0;
	s5 =	sld [smem:$0x3FB1]  }
0x2b: {  	s6 =	sld [smem:$0x3FB2]  }
0x2c: {  	s7 =	sld [smem:$0x3FB3]  }
0x2d: {  	s3 =	simm.s32 $0x108;
	s8 =	sld [smem:$0x3FB4]  }
0x2e: {  	s3 =	simm.s32 @!p0 $0x1082;
	s9 =	sld [smem:$0x3FB5]  }
0x2f: {  	lr =	sadd.s32 s0, s3;
	s0 =	sld [smem:$0x3FAC]  }
0x30: {  	s3 =	sld [smem:$0x3FAF]  }
0x31: {  	[smem:$0x3FB8] =	sst s10  }
0x32: {  	s10 =	sld [smem:$0x3FB6];
	_ =	sdelay $0x3  }
0x33: {  	p0 =	seq.s32 s10, $0x1;
	s10 =	sld [smem:$0x3FB8];
	_ =	sdelay $0x3  }
0x34: {  	[smem:$0x3FB8] =	sst s10  }
0x35: {  	s10 =	sld [smem:$0x3FB7];
	_ =	sdelay $0x3  }
0x36: {  	p1 =	seq.s32 s10, $0x1;
	s10 =	sld [smem:$0x3FB8];
	_ =	sdelay $0x3  }
0x37: {  	[smem:$0x3FB8] =	sst s10  }
0x38: {  	s10 =	sld [smem:$0x3FB9]  }
0x39: {  	_ = 	snop;
	(pc) =	sbr.ind lr, $3  }
0x3a: {  	_ = 	snop  }
0x3b: {  	_ = 	snop  }
0x3c: {  	p2 =	seq.s32 s10, $0x1;
	s10 =	sld [smem:$0x3FB8]  }
0x3d: {  	_ =	shalt  }
0x3e: {  	_ =	shalt  }
0x3f: {  	_ =	shalt  }
0x40: {  	_ =	shalt  }
0x41: {  	_ =	shalt  }
0x42: {  	_ =	shalt  }
0x43: {  	_ =	shalt  }
0x44: {  	_ =	shalt  }
0x45: {  	_ =	shalt  }
0x46: {  	_ =	shalt  }
0x47: {  	_ =	shalt  }
0x48: {  	_ =	shalt  }
0x49: {  	_ =	shalt  }
0x4a: {  	_ =	shalt  }
0x4b: {  	_ =	shalt  }
0x4c: {  	_ =	shalt  }
0x4d: {  	_ =	shalt  }
0x4e: {  	_ =	shalt  }
0x4f: {  	_ =	shalt  }
0x50: {  	_ =	shalt  }
0x51: {  	_ =	shalt  }
0x52: {  	_ =	shalt  }
0x53: {  	_ =	shalt  }
0x54: {  	_ =	shalt  }
0x55: {  	_ =	shalt  }
0x56: {  	_ =	shalt  }
0x57: {  	_ =	shalt  }
0x58: {  	_ =	shalt  }
0x59: {  	_ =	shalt  }
0x5a: {  	_ =	shalt  }
0x5b: {  	_ =	shalt  }
0x5c: {  	_ =	shalt  }
0x5d: {  	_ =	shalt  }
0x5e: {  	_ =	shalt  }
0x5f: {  	_ =	shalt  }
0x60: {  	_ =	shalt  }
0x61: {  	_ =	shalt  }
0x62: {  	_ =	shalt  }
0x63: {  	_ =	shalt  }
0x64: {  	_ =	shalt  }
0x65: {  	_ =	shalt  }
0x66: {  	_ =	shalt  }
0x67: {  	_ =	shalt  }
0x68: {  	_ =	shalt  }
0x69: {  	_ =	shalt  }
0x6a: {  	_ =	shalt  }
0x6b: {  	_ =	shalt  }
0x6c: {  	_ =	shalt  }
0x6d: {  	_ =	shalt  }
0x6e: {  	_ =	shalt  }
0x6f: {  	_ =	shalt  }
0x70: {  	_ =	shalt  }
0x71: {  	_ =	shalt  }
0x72: {  	_ =	shalt  }
0x73: {  	_ =	shalt  }
0x74: {  	_ =	shalt  }
0x75: {  	_ =	shalt  }
0x76: {  	_ =	shalt  }
0x77: {  	_ =	shalt  }
0x78: {  	_ =	shalt  }
0x79: {  	_ =	shalt  }
0x7a: {  	_ =	shalt  }
0x7b: {  	_ =	shalt  }
0x7c: {  	_ =	shalt  }
0x7d: {  	_ =	shalt  }
0x7e: {  	_ =	shalt  }
0x7f: {  	_ =	shalt  }
0x80: {  	_ =	shalt  }
0x81: {  	_ =	shalt  }
0x82: {  	_ =	shalt  }
0x83: {  	_ =	shalt  }
0x84: {  	_ =	shalt  }
0x85: {  	_ =	shalt  }
0x86: {  	_ =	shalt  }
0x87: {  	_ =	shalt  }
.Lfunc_end0:
.L_simem_size_0:
called_computation_lowered:
.L_overlay_start_0:
0x88: {  	s2 =	sld [smem:$0x3FD9]  }
0x89: {  	s3 =	sld [smem:$0x3FFE];
	_ =	sdelay $0x1  }
0x8a: {  	s1 =	srdreg.scid  }
0x8b: {  	s0 =	sand.u32 $0x1, s1  }
0x8c: {  	s17 =	sshll.u32 s0, $0xA;
	s2 =	sadd.s32 s3, s2  }
0x8d: {  	s2 =	sadd.s32 s2, s17  }
0x8e: {  	[smem:$0x3FC4] =	sst s2  }
0x8f: {  	_ = 	snop  }
0x90: {  	s2 =	sld [smem:$0x3FD0];
	(tm) =	ssettm $0x1  }
0x91: {  	s18 =	sld [smem:$0x3FFB];
	_ =	sdelay $0x3  }
0x92: {  	_ =	strace s18  }
0x93: {  	s3 =	sld [smem:$0x3FFC];
	_ =	sdelay $0x3  }
0x94: {  	_ =	strace s3  }
0x95: {  	s3 =	sld [smem:$0x3FFD];
	_ =	sdelay $0x3  }
0x96: {  	_ =	strace s3  }
0x97: {  	_ =	strace $0x8FFFFFFF  }
0x98: {  	s19 =	sld [smem:$0x3FDB];
	_ =	sdelay $0x1  }
0x99: {  	s4 =	simm.s32 $_scs_section_size  }
0x9a: {  	s5 =	simm.s32 $_size__tile_overlayer_lowered;
	s6 =	simm.s32 $_tile_overlayer_lowered  }
0x9b: {  	s22 =	simm.s32 $0x1BFF;
	s21 =	sshll.u32 s6, $0x1;
	s3 =	sadd.s32 s4, s19  }
0x9c: {  	s7 =	simm.s32 $0x0;
	s20 =	sshll.u32 s5, $0x1;
	s5 =	sadd.s32 s21, s3  }
0x9d: {  	[timem:s7], [sflag:s22] =	dma.local [hbm:s5], s20  }
0x9e: {  	_ =	swait.ge [sflag:s22], s20  }
0x9f: {  	s4 =	ssub.s32 $0x0, s20;
	[sflag:s22] =	ssyncset.done $0x0  }
0xa0: {  	[sflag:s22] =	ssyncadd.s32 s4;
	_ =	sdelay $0x1  }
0xa1: {  	s23 =	simm.s32 $0x1B8B  }
0xa2: {  	_ =	swait.ge [sflag:s23], $0x1  }
0xa3: {  	[sflag:s23] =	ssyncset.done $0x0  }
0xa4: {  	s25 =	simm.s32 $0x1B8E;
	s24 =	sld [smem:$0x3FFE];
	[sflag:s23] =	ssyncadd.s32 $0xFFFFFFFF  }
0xa5: {  	s26 =	simm.s32 $execute0_lowered;
	[smem:$0x3FD2] =	sst s25  }
0xa6: {  	s5 =	sshll.u32 s26, $0x1;
	_ =	strace $0x80000046;
	[dreg:$0x1] =	wrdreg $0xFFFFFFFF  }
0xa7: {  	s28 =	simm.s32 $_size_execute0_lowered;
	s3 =	sadd.s32 s3, s5;
	[dreg:$0x0] =	wrdreg $0x0  }
0xa8: {  	s5 =	sshll.u32 s28, $0x1;
	[dreg:$0x2] =	wrdreg s3  }
0xa9: {  	[dreg:$0x3] =	wrdreg s5  }
0xaa: {  	[dreg:$0x4] =	wrdreg $0xC0  }
0xab: {  	_ =	task [dreg:s7], $0x5FFFF  }
0xac: {  	[dreg:$0x1] =	wrdreg $0xFFFFFFFF  }
0xad: {  	[dreg:$0x0] =	wrdreg $0x60  }
0xae: {  	[dreg:$0x2] =	wrdreg s24  }
0xaf: {  	[dreg:$0x3] =	wrdreg s2  }
0xb0: {  	[dreg:$0x4] =	wrdreg $0x9  }
0xb1: {  	_ =	task.clear_ibuf [dreg:s7], $0x5FFFF;
	_ =	strace $0x90000046  }
0xb2: {  	s29 =	simm.s32 $0x9;
	_ =	strace $0x80000048  }
0xb3: {  	_ =	swait.ge [sflag:s29], $0x1  }
0xb4: {  	[sflag:s29] =	ssyncadd.s32 $0xFFFFFFFF  }
0xb5: {  	_ =	strace $0x90000048  }
0xb6: {  	_ =	sfence  }
0xb7: {  	s30 =	sld [smem:$0x0];
	_ =	sdelay $0x2  }
0xb8: {  	s31 =	sshll.u32 s1, $0xD;
	s1 =	sshrl.u32 s1, $0x2  }
0xb9: {  	s3 =	sand.u32 $0x4000, s31;
	s1 =	sadd.s32 s1, s30  }
0xba: {  	s0 =	sor.u32 s3, s0;
	s1 =	sshll.u32 s1, $0x11  }
0xbb: {  	s0 =	sor.u32 s1, s0  }
0xbc: {  	s0 =	sadd.s32 $0x8F2B, s0  }
0xbd: {  	[sflag:s0] =	ssyncadd.remote.s32 $0x1  }
0xbe: {  	_ =	sfence.sel $0xFFFF  }
0xbf: {  	[dreg:$0x0] =	wrdreg $0xFFFFFFFF;
	(pc) =	sbr.abs _section_cstart, $3  }
0xc0: {  	[dreg:$0x1] =	wrdreg $0xFFFFFFFF  }
0xc1: {  	_ =	task.clear_ibuf [dreg:s7], $0x2FFFF;
	_ =	strace $0x9FFFFFFF  }
0xc2: {  	(tm) =	ssettm $0x7FFFFFFF  }
0xc3: {  	_ =	shalt  }
tec
execute0_lowered:
.L_overlay_start_1:
0x0: {  	(tag) =	ssettag $0x1  }
0x1: {  	s5 =	rddreg [dreg:$0x0]  }
0x2: {  	s7 =	rddreg [dreg:$0x1]  }
0x3: {  	s0 =	rddreg [dreg:$0x2];
	s1 =	simm.s32 $0x0  }
0x4: {  	s2 =	srdreg.scid;
	s12 =	simm.s32 $0x2;
	s13 =	simm.s32 $0x0  }
0x5: {  	[smem:$0x7FF] =	sst s1;
	s6 =	sand.u32 $0x1, s2;
	s2 =	stileid.u32  }
0x6: {  	s3 =	sadd.s32 $0x3200, s5;
	s4 =	sadd.s32 $0x1000, s5;
	s8 =	ssub.s32 $0x2, s6  }
0x7: {  	s5 =	sadd.s32 $0x417F, s5;
	s10 =	sshll.u32 s2, $0x1;
	s9 =	sshrl.u32 s8, $0x1  }
0x8: {  	v16 =	vlaneseq.u32;
	_ =	strace $0x80000047;
	s6 =	sor.u32 s6, s10;
	s8 =	ssub.s32 s8, s9  }
0x9: {  	v14 =	vadd.s32 $0x7, v16;
	s31 =	sshll.u32 s6, $0xA;
	p0 =	seq.s32 s6, $0x1F;
	s10 =	sadd.s32 $0xFFFFFFFF, s6  }
0xa: {  	v2 =	vadd.s32 $0x8, v16;
	v61 =	vadd.s32 $0x9, v16;
	v63 =	vadd.s32 $0xA, v16;
	s11 =	sshll.u32 s6, $0x7;
	s9 =	sadd.s32 $0xFFFFFFF8, s31;
	p2 =	sne.s32 @!p0 s6, $0x0  }
0xb: {  	v49 =	vadd.s32 $0x27, v16;
	v7 =	vadd.s32 $0x28, v16;
	v56 =	vadd.s32 $0x29, v16;
	s7 =	sadd.s32 s7, s11;
	s8 =	smax.u32 s8, $0x1;
	p1 =	por !p2, p0  }
0xc: {  	v62 =	vadd.s32 $0x2A, v16;
	v8 =	vadd.s32 $0x47, v16;
	v9 =	vadd.s32 $0x48, v16;
	s11 =	simm.s32 $0x480;
	s9 =	sshrl.u32 s9, $0x3;
	p1 =	sgt.u32 @!p1 s10, $0x1D  }
0xd: {  	v10 =	vadd.s32 $0x49, v16;
	v1 =	vadd.s32 $0x4A, v16;
	v15 =	vadd.s32 $0x67, v16;
	s6 =	sadd.s32 s3, s9;
	s9 =	simm.s32 $0x880;
	p1 =	por @!p0 p1, !p2  }
0xe: {  	v12 =	vadd.s32 $0x68, v16;
	v13 =	vadd.s32 $0x69, v16;
	v16 =	vadd.s32 $0x6A, v16;
	[tilespmem:$0x1FFF0] =	vst v1;
	s10 =	simm.s32 $0x1;
	p2 =	por p2, p0;
	p1 =	por p1, p0  }
.LBB2_1:
0xf: {  	[tilespmem:s9], [sflag:$0x1] =	stream.linear.gather [hbm4b:s4+s1], $0x10400, $0x38;
	v0 =	vimm.s32 $0x200;
	[tilespmem:$0x10C80] =	vst v63  }
0x10: {  	[tilespmem:$0x0] =	vst v0  }
0x11: {  	[tilespmem:$0x400] =	vst v0  }
0x12: {  	s14 =	simm.s32 @p0 $0x0;
	[tilespmem:$0x410] =	vst v0  }
0x13: {  	[tilespmem:s14], [sflag:$0x2] =	stream.linear.gather @p0 [hbm4b:s5+s14], $0x408, $0x38;
	[tilespmem:$0x10C80] =	vst v63  }
0x14: {  	s14 =	simm.s32 @p0 $0x2  }
0x15: {  	_ =	swait.ge @p0 [sflag:s14], $0x408  }
0x16: {  	[sflag:s14] =	ssyncset.done @p0 $0x0  }
0x17: {  	[sflag:s14] =	ssyncadd.s32 @p0 $0xFFFFFBF8;
	s14 =	simm.s32 @!p1 $0x0  }
0x18: {  	[tilespmem:s14], [sflag:$0x2] =	stream.linear.gather @!p1 [hbm4b:s6+s14], $0x410, $0x38;
	[tilespmem:$0x10C80] =	vst v63  }
0x19: {  	s14 =	simm.s32 @!p1 $0x2  }
0x1a: {  	_ =	swait.ge @!p1 [sflag:s14], $0x410  }
0x1b: {  	s15 =	simm.s32 @!p2 $0x8;
	[sflag:s14] =	ssyncset.done @!p1 $0x0  }
0x1c: {  	s16 =	simm.s32 @!p2 $0x2;
	[sflag:s14] =	ssyncadd.s32 @!p1 $0xFFFFFBF0;
	s14 =	simm.s32 @!p2 $0x0  }
0x1d: {  	[tilespmem:s15], [sflag:$0x2] =	stream.linear.gather @!p2 [hbm4b:s3+s14], $0x408, $0x38;
	[tilespmem:$0x10C80] =	vst v63  }
0x1e: {  	s29 =	simm.s32 $0x70;
	_ =	swait.ge @!p2 [sflag:s16], $0x408  }
0x1f: {  	s30 =	simm.s32 $0x0;
	v17 =	vadd.s32 s29, v14;
	[sflag:s16] =	ssyncset.done @!p2 $0x0  }
0x20: {  	v18 =	vor.u32 s30, v15;
	[sflag:s16] =	ssyncadd.s32 @!p2 $0xFFFFFBF8  }
0x21: {  	v19 =	vor.u32 s30, v12;
	_ =	swait.ge [sflag:s10], $0x10400  }
0x22: {  	v20 =	vor.u32 s30, v14;
	[sflag:s10] =	ssyncset.done $0x0  }
0x23: {  	s31 =	simm.s32 $0x10;
	v21 =	vor.u32 s30, v13;
	[sflag:s10] =	ssyncadd.s32 $0xFFFEFC00  }
0x24: {  	v22 =	vadd.s32 s31, v14;
	v17 =	vld.idx.msk [tilespmem:v17+s1+$0x0], $0xffff  }
0x25: {  	v23 =	vor.u32 s30, v16;
	v18 =	vld.idx.msk [tilespmem:v18+s1+$0x0], $0xffff  }
0x26: {  	s17 =	simm.s32 $0x30;
	v24 =	vor.u32 s30, v49;
	v19 =	vld.idx.msk [tilespmem:v19+s1+$0x0], $0xffff  }
0x27: {  	v25 =	vadd.s32 s17, v14;
	v20 =	vld.idx.msk [tilespmem:v20+s1+$0x0], $0xffff  }
0x28: {  	s18 =	simm.s32 $0x50;
	v26 =	vor.u32 s30, v8;
	v21 =	vld.idx.msk [tilespmem:v21+s1+$0x0], $0xffff  }
0x29: {  	v27 =	vadd.s32 s18, v14;
	v22 =	vld.idx.msk [tilespmem:v22+s1+$0x0], $0xffff  }
0x2a: {  	v28 =	vor.u32 s30, v2;
	v23 =	vld.idx.msk [tilespmem:v23+s1+$0x0], $0xffff  }
0x2b: {  	v29 =	vadd.s32 s31, v2;
	v24 =	vld.idx.msk [tilespmem:v24+s1+$0x0], $0xffff  }
0x2c: {  	v30 =	vor.u32 s30, v7;
	v25 =	vld.idx.msk [tilespmem:v25+s1+$0x0], $0xffff  }
0x2d: {  	v31 =	vadd.s32 s17, v2;
	v26 =	vld.idx.msk [tilespmem:v26+s1+$0x0], $0xffff  }
0x2e: {  	v32 =	vor.u32 s30, v9;
	v27 =	vld.idx.msk [tilespmem:v27+s1+$0x0], $0xffff  }
0x2f: {  	v33 =	vadd.s32 s18, v2;
	v28 =	vld.idx.msk [tilespmem:v28+s1+$0x0], $0xffff  }
0x30: {  	v34 =	vadd.s32 s29, v2;
	v29 =	vld.idx.msk [tilespmem:v29+s1+$0x0], $0xffff  }
0x31: {  	v35 =	vor.u32 s30, v61;
	v30 =	vld.idx.msk [tilespmem:v30+s1+$0x0], $0xffff  }
0x32: {  	v36 =	vadd.s32 s31, v61;
	v31 =	vld.idx.msk [tilespmem:v31+s1+$0x0], $0xffff  }
0x33: {  	v37 =	vor.u32 s30, v56;
	v32 =	vld.idx.msk [tilespmem:v32+s1+$0x0], $0xffff  }
0x34: {  	v38 =	vadd.s32 s17, v61;
	v33 =	vld.idx.msk [tilespmem:v33+s1+$0x0], $0xffff  }
0x35: {  	v39 =	vor.u32 s30, v10;
	v34 =	vld.idx.msk [tilespmem:v34+s1+$0x0], $0xffff  }
0x36: {  	v40 =	vadd.s32 s18, v61;
	v35 =	vld.idx.msk [tilespmem:v35+s1+$0x0], $0xffff  }
0x37: {  	v41 =	vadd.s32 s29, v61;
	v36 =	vld.idx.msk [tilespmem:v36+s1+$0x0], $0xffff  }
0x38: {  	v42 =	vor.u32 s30, v63;
	v37 =	vld.idx.msk [tilespmem:v37+s1+$0x0], $0xffff  }
0x39: {  	v43 =	vadd.s32 s31, v63;
	v38 =	vld.idx.msk [tilespmem:v38+s1+$0x0], $0xffff  }
0x3a: {  	v44 =	vor.u32 s30, v62;
	v39 =	vld.idx.msk [tilespmem:v39+s1+$0x0], $0xffff  }
0x3b: {  	v45 =	vadd.s32 s17, v63;
	v40 =	vld.idx.msk [tilespmem:v40+s1+$0x0], $0xffff  }
0x3c: {  	v46 =	vor.u32 s30, v1;
	v41 =	vld.idx.msk [tilespmem:v41+s1+$0x0], $0xffff  }
0x3d: {  	v47 =	vadd.s32 s18, v63;
	v42 =	vld.idx.msk [tilespmem:v42+s1+$0x0], $0xffff  }
0x3e: {  	v48 =	vadd.s32 s29, v63;
	v43 =	vld.idx.msk [tilespmem:v43+s1+$0x0], $0xffff  }
0x3f: {  	v44 =	vld.idx.msk [tilespmem:v44+s1+$0x0], $0xffff;
	v18 =	vshll.u32 v18, $0x7  }
0x40: {  	v45 =	vld.idx.msk [tilespmem:v45+s1+$0x0], $0xffff;
	v19 =	vshll.u32 v19, $0x7;
	v20 =	vshll.u32 v20, $0x7  }
0x41: {  	v46 =	vld.idx.msk [tilespmem:v46+s1+$0x0], $0xffff;
	v19 =	vor.u32 $0x1, v19  }
0x42: {  	v47 =	vld.idx.msk [tilespmem:v47+s1+$0x0], $0xffff;
	v21 =	vshll.u32 v21, $0x7;
	v22 =	vshll.u32 v22, $0x7  }
0x43: {  	v48 =	vld.idx.msk [tilespmem:v48+s1+$0x0], $0xffff;
	v21 =	vor.u32 $0x2, v21  }
0x44: {  	v23 =	vshll.u32 v23, $0x7;
	v24 =	vshll.u32 v24, $0x7;
	v18 =	vld.idx.msk [tilespmem:v18+s9+$0x0], $0xffff  }
0x45: {  	v23 =	vor.u32 $0x3, v23;
	v20 =	vld.idx.msk [tilespmem:v20+s9+$0x0], $0xffff  }
0x46: {  	v25 =	vshll.u32 v25, $0x7;
	v19 =	vld.idx.msk [tilespmem:v19+s9+$0x0], $0xffff  }
0x47: {  	v26 =	vshll.u32 v26, $0x7;
	v22 =	vld.idx.msk [tilespmem:v22+s9+$0x0], $0xffff  }
0x48: {  	v27 =	vshll.u32 v27, $0x7;
	v21 =	vld.idx.msk [tilespmem:v21+s9+$0x0], $0xffff  }
0x49: {  	v17 =	vshll.u32 v17, $0x7;
	v28 =	vshll.u32 v28, $0x7;
	v24 =	vld.idx.msk [tilespmem:v24+s9+$0x0], $0xffff;
	v18 =	vadd.f32 $0.0e+00, v18  }
0x4a: {  	v29 =	vshll.u32 v29, $0x7;
	v28 =	vor.u32 $0x1, v28;
	v23 =	vld.idx.msk [tilespmem:v23+s9+$0x0], $0xffff  }
0x4b: {  	v57 =	vshll.u32 v35, $0x7;
	v25 =	vld.idx.msk [tilespmem:v25+s9+$0x0], $0xffff;
	v18 =	vadd.f32 v19, v18;
	v19 =	vor.u32 $0x1, v29  }
0x4c: {  	v26 =	vld.idx.msk [tilespmem:v26+s9+$0x0], $0xffff;
	v29 =	vshll.u32 v30, $0x7;
	v30 =	vshll.u32 v32, $0x7;
	v32 =	vor.u32 $0x2, v57  }
0x4d: {  	v27 =	vld.idx.msk [tilespmem:v27+s9+$0x0], $0xffff;
	v29 =	vor.u32 $0x1, v29;
	v18 =	vadd.f32 v21, v18;
	v21 =	vshll.u32 v31, $0x7  }
0x4e: {  	v58 =	vshll.u32 v36, $0x7;
	v17 =	vld.idx.msk [tilespmem:v17+s9+$0x0], $0xffff;
	v21 =	vor.u32 $0x1, v21  }
0x4f: {  	v59 =	vshll.u32 v38, $0x7;
	v28 =	vld.idx.msk [tilespmem:v28+s9+$0x0], $0xffff;
	v31 =	vadd.f32 v23, v18;
	v18 =	vor.u32 $0x1, v30  }
0x50: {  	v23 =	vshll.u32 v33, $0x7;
	v30 =	vshll.u32 v34, $0x7;
	v33 =	vor.u32 $0x2, v58;
	v34 =	vld.idx.msk [tilespmem:v19+s9+$0x0], $0xffff  }
0x51: {  	v51 =	vshll.u32 v41, $0x7;
	v35 =	vor.u32 $0x2, v59;
	v23 =	vor.u32 $0x1, v23;
	v32 =	vld.idx.msk [tilespmem:v32+s9+$0x0], $0xffff  }
0x52: {  	v38 =	vor.u32 $0x2, v51;
	v30 =	vor.u32 $0x1, v30;
	v19 =	vshll.u32 v37, $0x7;
	v29 =	vld.idx.msk [tilespmem:v29+s9+$0x0], $0xffff  }
0x53: {  	v54 =	vadd.f32 $0.0e+00, v22;
	v24 =	vadd.f32 $0.0e+00, v24;
	v60 =	vor.u32 $0x2, v19;
	v50 =	vld.idx.msk [tilespmem:v21+s9+$0x0], $0xffff  }
0x54: {  	v25 =	vadd.f32 $0.0e+00, v25;
	v55 =	vadd.f32 $0.0e+00, v26;
	v19 =	vshll.u32 v39, $0x7;
	v52 =	vld.idx.msk [tilespmem:v18+s9+$0x0], $0xffff  }
0x55: {  	v22 =	vshll.u32 v46, $0x7;
	v17 =	vadd.f32 $0.0e+00, v17;
	v21 =	vor.u32 $0x2, v19;
	v33 =	vld.idx.msk [tilespmem:v33+s9+$0x0], $0xffff  }
0x56: {  	v22 =	vor.u32 $0x3, v22;
	v19 =	vshll.u32 v40, $0x7;
	v18 =	vshll.u32 v42, $0x7;
	v53 =	vld.idx.msk [tilespmem:v23+s9+$0x0], $0xffff  }
0x57: {  	v40 =	vor.u32 $0x2, v19;
	v42 =	vor.u32 $0x3, v18;
	v18 =	vshll.u32 v43, $0x7;
	v30 =	vld.idx.msk [tilespmem:v30+s9+$0x0], $0xffff  }
0x58: {  	v57 =	vadd.f32 $0.0e+00, v27;
	v43 =	vor.u32 $0x3, v18;
	v18 =	vshll.u32 v45, $0x7;
	v36 =	vld.idx.msk [tilespmem:v60+s9+$0x0], $0xffff  }
0x59: {  	v27 =	vshll.u32 v47, $0x7;
	v23 =	vadd.f32 $0.0e+00, v20;
	v20 =	vor.u32 $0x3, v18;
	v18 =	vld.idx.msk [tilespmem:v35+s9+$0x0], $0xffff  }
0x5a: {  	v19 =	vshll.u32 v44, $0x7;
	v44 =	vadd.f32 v34, v54;
	v59 =	vadd.f32 v29, v24;
	v21 =	vld.idx.msk [tilespmem:v21+s9+$0x0], $0xffff  }
0x5b: {  	v19 =	vor.u32 $0x3, v19;
	v58 =	vadd.f32 v28, v23;
	v26 =	vadd.f32 v50, v25;
	v25 =	vld.idx.msk [tilespmem:v38+s9+$0x0], $0xffff  }
0x5c: {  	v29 =	vor.u32 $0x3, v27;
	v23 =	vld.idx.msk [tilespmem:v40+s9+$0x0], $0xffff;
	v27 =	vadd.f32 v52, v55;
	v28 =	vadd.f32 v53, v57  }
0x5d: {  	s14 =	simm.s32 $0x4C0;
	v60 =	vshll.u32 v48, $0x7;
	v24 =	vadd.f32 v30, v17;
	v30 =	vadd.f32 v32, v58;
	v34 =	vld.idx.msk [tilespmem:v42+s9+$0x0], $0xffff  }
0x5e: {  	s15 =	simm.s32 $0x0;
	s16 =	simm.s32 $0xF0;
	[tilespmem:s14+$0x20] =	vst v31;
	v31 =	vor.u32 $0x3, v60;
	v32 =	vadd.f32 v33, v44;
	v35 =	vld.idx.msk [tilespmem:v43+s9+$0x0], $0xffff;
	v33 =	vadd.f32 v36, v59  }
.LBB2_2:
0x5f: {  	_ =	sdelay $0x3  }
0x60: {  	v19 =	vld.idx.msk [tilespmem:v19+s9+$0x0], $0xffff  }
0x61: {  	s17 =	sadd.s32 $0xFFFFFF90, s16;
	v36 =	vadd.s32 s16, v14;
	v20 =	vld.idx.msk [tilespmem:v20+s9+$0x0], $0xffff  }
0x62: {  	v22 =	vld.idx.msk [tilespmem:v22+s9+$0x0], $0xffff;
	v40 =	vor.u32 s17, v15  }
0x63: {  	v29 =	vld.idx.msk [tilespmem:v29+s9+$0x0], $0xffff;
	v43 =	vor.u32 s17, v12  }
0x64: {  	v11 =	vmov v8;
	v31 =	vld.idx.msk [tilespmem:v31+s9+$0x0], $0xffff;
	v38 =	vor.u32 s17, v14;
	v41 =	vor.u32 s17, v49  }
0x65: {  	s18 =	sadd.s32 $0xFFFFFFA0, s16;
	v5 =	vld [tilespmem:$0x1FFF0];
	v45 =	vor.u32 s17, v8;
	v48 =	vor.u32 s17, v7;
	v8 =	vmovc v7;
	v7 =	vmovc v49;
	v49 =	vor.u32 s17, v13  }
0x66: {  	v39 =	vadd.s32 s18, v14;
	v36 =	vld.idx.msk [tilespmem:v36+s1+$0x0], $0xffff  }
0x67: {  	v55 =	vor.u32 s17, v16;
	v40 =	vld.idx.msk [tilespmem:v40+s1+$0x0], $0xffff  }
0x68: {  	s19 =	sadd.s32 $0xFFFFFFC0, s16;
	v43 =	vld.idx.msk [tilespmem:v43+s1+$0x0], $0xffff  }
0x69: {  	v42 =	vadd.s32 s19, v14;
	v38 =	vld.idx.msk [tilespmem:v38+s1+$0x0], $0xffff  }
0x6a: {  	s20 =	sadd.s32 $0xFFFFFFE0, s16;
	v49 =	vld.idx.msk [tilespmem:v49+s1+$0x0], $0xffff  }
0x6b: {  	v46 =	vadd.s32 s20, v14;
	v39 =	vld.idx.msk [tilespmem:v39+s1+$0x0], $0xffff  }
0x6c: {  	v44 =	vor.u32 s17, v2;
	v26 =	vadd.f32 v18, v26;
	v55 =	vld.idx.msk [tilespmem:v55+s1+$0x0], $0xffff  }
0x6d: {  	v53 =	vor.u32 s17, v61;
	v21 =	vadd.f32 v21, v27;
	v30 =	vadd.f32 v34, v30;
	v27 =	vld.idx.msk [tilespmem:v41+s1+$0x0], $0xffff  }
0x6e: {  	v24 =	vadd.f32 v25, v24;
	v32 =	vadd.f32 v35, v32;
	v25 =	vld.idx.msk [tilespmem:v42+s1+$0x0], $0xffff  }
0x6f: {  	v47 =	vadd.s32 s18, v2;
	v23 =	vadd.f32 v23, v28;
	v19 =	vadd.f32 v19, v33;
	v45 =	vld.idx.msk [tilespmem:v45+s1+$0x0], $0xffff;
	[tilespmem:s14+$0xFFFFFFC0] =	vst v30  }
0x70: {  	v51 =	vor.u32 s17, v9;
	v6 =	vor.u32 s17, v5;
	v20 =	vadd.f32 v20, v26;
	v26 =	vld.idx.msk [tilespmem:v46+s1+$0x0], $0xffff;
	[tilespmem:s14+$0xFFFFFFD0] =	vst v32  }
0x71: {  	v5 =	vadd.s32 s20, v63;
	v21 =	vadd.f32 v22, v21;
	v22 =	vadd.f32 v29, v23;
	v23 =	vld.idx.msk [tilespmem:v44+s1+$0x0], $0xffff;
	[tilespmem:s14+$0xFFFFFFE0] =	vst v19  }
0x72: {  	v53 =	vld.idx.msk [tilespmem:v53+s1+$0x0], $0xffff;
	[tilespmem:s14+$0xFFFFFFF0] =	vst v20;
	v18 =	vshll.u32 v36, $0x7  }
0x73: {  	[tilespmem:s14+$0x10] =	vst v22;
	v22 =	vld.idx.msk [tilespmem:v48+s1+$0x0], $0xffff;
	v28 =	vshll.u32 v40, $0x7  }
0x74: {  	v54 =	vadd.s32 s18, v61;
	v19 =	vadd.f32 v31, v24;
	v20 =	vld.idx.msk [tilespmem:v47+s1+$0x0], $0xffff;
	[tilespmem:s14+$0x0] =	vst v21  }
0x75: {  	v51 =	vld.idx.msk [tilespmem:v51+s1+$0x0], $0xffff;
	v33 =	vshll.u32 v38, $0x7  }
0x76: {  	[tilespmem:s14+$0x30] =	vst v19;
	v5 =	vld.idx.msk [tilespmem:v5+s1+$0x0], $0xffff;
	v29 =	vshll.u32 v39, $0x7  }
0x77: {  	v43 =	vshll.u32 v43, $0x7;
	v27 =	vshll.u32 v27, $0x7;
	v18 =	vld.idx.msk [tilespmem:v18+s9+$0x0], $0xffff  }
0x78: {  	v30 =	vshll.u32 v49, $0x7;
	v34 =	vor.u32 $0x1, v43;
	v22 =	vshll.u32 v22, $0x7;
	v24 =	vld.idx.msk [tilespmem:v28+s9+$0x0], $0xffff  }
0x79: {  	v21 =	vshll.u32 v25, $0x7;
	v28 =	vshll.u32 v55, $0x7;
	v55 =	vor.u32 $0x1, v22;
	v22 =	vld.idx.msk [tilespmem:v54+s1+$0x0], $0xffff  }
0x7a: {  	v30 =	vor.u32 $0x2, v30;
	v33 =	vld.idx.msk [tilespmem:v33+s9+$0x0], $0xffff  }
0x7b: {  	v52 =	vadd.s32 s20, v2;
	v32 =	vshll.u32 v51, $0x7;
	v51 =	vld.idx.msk [tilespmem:v29+s9+$0x0], $0xffff  }
0x7c: {  	v27 =	vld.idx.msk [tilespmem:v27+s9+$0x0], $0xffff;
	v28 =	vor.u32 $0x3, v28  }
0x7d: {  	v37 =	vadd.s32 s16, v2;
	v25 =	vld.idx.msk [tilespmem:v34+s9+$0x0], $0xffff  }
0x7e: {  	v50 =	vadd.s32 s19, v2;
	v21 =	vld.idx.msk [tilespmem:v21+s9+$0x0], $0xffff  }
0x7f: {  	v0 =	vadd.s32 s16, v61;
	v60 =	vadd.s32 s18, v63;
	v20 =	vshll.u32 v20, $0x7;
	v19 =	vld.idx.msk [tilespmem:v30+s9+$0x0], $0xffff  }
0x80: {  	[tilespmem:$0x1FFD0] =	vst v0;
	v0 =	vadd.s32 s19, v63;
	v34 =	vor.u32 $0x1, v20;
	v20 =	vld.idx.msk [tilespmem:v52+s1+$0x0], $0xffff;
	v24 =	vadd.f32 $0.0e+00, v24  }
0x81: {  	v57 =	vadd.s32 s19, v61;
	v28 =	vld.idx.msk [tilespmem:v28+s9+$0x0], $0xffff  }
0x82: {  	v58 =	vor.u32 s17, v10;
	v24 =	vadd.f32 v25, v24;
	v25 =	vld.idx.msk [tilespmem:v37+s1+$0x0], $0xffff  }
0x83: {  	v59 =	vor.u32 s17, v63;
	v30 =	vld.idx.msk [tilespmem:v50+s1+$0x0], $0xffff;
	v22 =	vshll.u32 v22, $0x7  }
0x84: {  	v1 =	vor.u32 s17, v62;
	v39 =	vor.u32 $0x2, v22;
	v22 =	vld.idx.msk [tilespmem:v60+s1+$0x0], $0xffff;
	v19 =	vadd.f32 v19, v24  }
0x85: {  	v60 =	vld.idx.msk [tilespmem:v0+s1+$0x0], $0xffff  }
0x86: {  	v20 =	vshll.u32 v20, $0x7;
	v19 =	vadd.f32 v28, v19;
	v28 =	vld.idx.msk [tilespmem:v57+s1+$0x0], $0xffff  }
0x87: {  	v3 =	vor.u32 s17, v56;
	v57 =	vld.idx.msk [tilespmem:v58+s1+$0x0], $0xffff;
	v58 =	vor.u32 $0x1, v20;
	v20 =	vshll.u32 v25, $0x7  }
0x88: {  	v17 =	vadd.s32 s16, v63;
	v35 =	vor.u32 $0x1, v20;
	v20 =	vld.idx.msk [tilespmem:v59+s1+$0x0], $0xffff  }
0x89: {  	v4 =	vadd.s32 s20, v61;
	[tilespmem:$0x1FFE0] =	vst v17;
	v59 =	vld.idx.msk [tilespmem:v1+s1+$0x0], $0xffff  }
0x8a: {  	v32 =	vor.u32 $0x1, v32;
	v1 =	vld [tilespmem:$0x1FFE0]  }
0x8b: {  	v0 =	vld.idx.msk [tilespmem:v6+s1+$0x0], $0xffff  }
0x8c: {  	v24 =	vshll.u32 v30, $0x7;
	v30 =	vld.idx.msk [tilespmem:v3+s1+$0x0], $0xffff  }
0x8d: {  	s14 =	sadd.s32 $0x80, s14;
	v3 =	vld [tilespmem:$0x1FFD0]  }
0x8e: {  	v31 =	vshll.u32 v45, $0x7;
	[tilespmem:s14+$0x20] =	vst v19;
	v19 =	vld.idx.msk [tilespmem:v4+s1+$0x0], $0xffff  }
0x8f: {  	v32 =	vld.idx.msk [tilespmem:v32+s9+$0x0], $0xffff;
	v24 =	vor.u32 $0x1, v24  }
0x90: {  	v54 =	vld.idx.msk [tilespmem:v55+s9+$0x0], $0xffff  }
0x91: {  	v23 =	vshll.u32 v23, $0x7;
	v39 =	vld.idx.msk [tilespmem:v39+s9+$0x0], $0xffff;
	v25 =	vshll.u32 v53, $0x7  }
0x92: {  	v26 =	vshll.u32 v26, $0x7;
	v23 =	vor.u32 $0x1, v23;
	v25 =	vor.u32 $0x2, v25;
	v6 =	vld.idx.msk [tilespmem:v1+s1+$0x0], $0xffff  }
0x93: {  	v0 =	vshll.u32 v0, $0x7;
	v53 =	vld.idx.msk [tilespmem:v31+s9+$0x0], $0xffff;
	v30 =	vshll.u32 v30, $0x7;
	v19 =	vshll.u32 v19, $0x7  }
0x94: {  	v30 =	vor.u32 $0x2, v30;
	v24 =	vld.idx.msk [tilespmem:v24+s9+$0x0], $0xffff;
	v48 =	vor.u32 $0x2, v19;
	v19 =	vshll.u32 v20, $0x7  }
0x95: {  	v28 =	vshll.u32 v28, $0x7;
	v37 =	vshll.u32 v57, $0x7;
	v57 =	vld.idx.msk [tilespmem:v58+s9+$0x0], $0xffff;
	v50 =	vor.u32 $0x3, v19  }
0x96: {  	v17 =	vld.idx.msk [tilespmem:v3+s1+$0x0], $0xffff;
	v19 =	vshll.u32 v22, $0x7;
	v22 =	vor.u32 $0x3, v0;
	v0 =	vshll.u32 v5, $0x7  }
0x97: {  	v28 =	vor.u32 $0x2, v28;
	v25 =	vld.idx.msk [tilespmem:v25+s9+$0x0], $0xffff;
	v29 =	vor.u32 $0x3, v0;
	v0 =	vshll.u32 v6, $0x7  }
0x98: {  	v31 =	vor.u32 $0x3, v0;
	v0 =	vld.idx.msk [tilespmem:v23+s9+$0x0], $0xffff  }
0x99: {  	v5 =	vld.idx.msk [tilespmem:v26+s9+$0x0], $0xffff  }
0x9a: {  	v27 =	vadd.f32 $0.0e+00, v27;
	v21 =	vadd.f32 $0.0e+00, v21;
	v37 =	vor.u32 $0x2, v37;
	v26 =	vld.idx.msk [tilespmem:v34+s9+$0x0], $0xffff  }
0x9b: {  	v58 =	vadd.f32 $0.0e+00, v18;
	v20 =	vshll.u32 v60, $0x7;
	v60 =	vld.idx.msk [tilespmem:v30+s9+$0x0], $0xffff;
	v6 =	vadd.f32 $0.0e+00, v33  }
0x9c: {  	s15 =	sadd.s32 $0x8, s15;
	v55 =	vadd.f32 $0.0e+00, v53;
	v52 =	vor.u32 $0x3, v19;
	v17 =	vshll.u32 v17, $0x7;
	v18 =	vld.idx.msk [tilespmem:v28+s9+$0x0], $0xffff  }
0x9d: {  	p3 =	slt.u32 s15, $0x38;
	v17 =	vor.u32 $0x2, v17;
	v23 =	vadd.f32 $0.0e+00, v51;
	v0 =	vadd.f32 v0, v6;
	v6 =	vld.idx.msk [tilespmem:v35+s9+$0x0], $0xffff  }
.Ltmp0:
0x9e: {  	v5 =	vadd.f32 $0.0e+00, v5;
	v34 =	vld.idx.msk [tilespmem:v50+s9+$0x0], $0xffff;
	v33 =	vadd.f32 v54, v27;
	(pc) =	sbr.rel @p3 .LBB2_2-.Ltmp0, $4  }
0x9f: {  	v19 =	vshll.u32 v59, $0x7;
	v59 =	vadd.f32 v26, v23;
	v26 =	vadd.f32 v24, v21;
	v21 =	vld.idx.msk [tilespmem:v37+s9+$0x0], $0xffff  }
0xa0: {  	v49 =	vmov v7;
	v27 =	vadd.f32 v32, v55;
	v28 =	vadd.f32 v57, v5;
	v23 =	vld.idx.msk [tilespmem:v48+s9+$0x0], $0xffff  }
0xa1: {  	v7 =	vmovc v8;
	v20 =	vor.u32 $0x3, v20;
	v33 =	vadd.f32 v60, v33;
	v32 =	vadd.f32 v39, v59;
	v35 =	vld.idx.msk [tilespmem:v52+s9+$0x0], $0xffff  }
0xa2: {  	s16 =	sadd.s32 $0x80, s16;
	v8 =	vmovc v11;
	v19 =	vor.u32 $0x3, v19;
	v30 =	vadd.f32 v25, v0;
	v25 =	vld.idx.msk [tilespmem:v17+s9+$0x0], $0xffff;
	v24 =	vadd.f32 v6, v58  }
0xa3: {  	_ =	sdelay $0x3  }
0xa4: {  	v0 =	vld.idx.msk [tilespmem:v19+s9+$0x0], $0xffff  }
0xa5: {  	v5 =	vld.idx.msk [tilespmem:v20+s9+$0x0], $0xffff  }
0xa6: {  	v6 =	vld.idx.msk [tilespmem:v22+s9+$0x0], $0xffff  }
0xa7: {  	v17 =	vld.idx.msk [tilespmem:v29+s9+$0x0], $0xffff;
	v19 =	vadd.f32 v34, v30  }
0xa8: {  	v59 =	vld.idx.msk [tilespmem:v31+s9+$0x0], $0xffff;
	v18 =	vadd.f32 v18, v26;
	v60 =	vadd.f32 v35, v32  }
0xa9: {  	v21 =	vadd.f32 v21, v27;
	[tilespmem:s14+$0xFFFFFFC0] =	vst v19;
	v0 =	vadd.f32 v0, v33  }
0xaa: {  	v19 =	vadd.f32 v23, v28;
	v5 =	vadd.f32 v5, v18;
	[tilespmem:s14+$0xFFFFFFD0] =	vst v60  }
0xab: {  	v18 =	vadd.f32 v25, v24;
	v6 =	vadd.f32 v6, v21;
	[tilespmem:s14+$0xFFFFFFE0] =	vst v0  }
0xac: {  	v0 =	vadd.f32 v17, v19;
	[tilespmem:s14+$0xFFFFFFF0] =	vst v5  }
0xad: {  	s13 =	sadd.s32 $0x1, s13;
	v5 =	vadd.f32 v59, v18;
	[tilespmem:s14+$0x0] =	vst v6  }
0xae: {  	p3 =	sne.s32 s13, s8;
	[tilespmem:s14+$0x10] =	vst v0  }
.Ltmp1:
0xaf: {  	[tilespmem:s14+$0x30] =	vst v5;
	(pc) =	sbr.rel @p3 .LBB2_1-.Ltmp1, $4  }
0xb0: {  	[hbm4b:s7+s1] =	stream.linear.scatter [tilespmem:s11], [sflag:$0x2], $0x400, $0x38;
	[tilespmem:$0x10C80] =	vst v63  }
0xb1: {  	_ =	swait.ge [sflag:s12], $0x400  }
0xb2: {  	[sflag:s12] =	ssyncset.done $0x0  }
0xb3: {  	v1 =	vld [tilespmem:$0x1FFF0];
	[sflag:s12] =	ssyncadd.s32 $0xFFFFFC00  }
0xb4: {  	_ =	sfence.sel $0x180000  }
0xb5: {  	[bflag:$0x0] =	sbarrier.arrive $0xFFFF  }
0xb6: {  	p0 =	sne.s32 s2, $0x0;
	_ =	strace $0x90000047  }
0xb7: {  	s0 =	sadd.s32 @!p0 $0x100000, s0;
	[bflag:$0x2] =	sbarrier.arrive $0xFFFF  }
0xb8: {  	[sflag:s0] =	ssyncadd.tile.s32 @!p0 $0x1;
	_ =	shalt  }
.Lfunc_end2:
_tile_overlayer_lowered:
.L_overlay_start_2:
0xb9: {  	(tag) =	ssettag $0x2  }
0xba: {  	s0 =	rddreg [dreg:$0x0];
	s2 =	stileid.u32  }
0xbb: {  	s1 =	rddreg [dreg:$0x1];
	p0 =	sne.s32 s2, $0x0  }
0xbc: {  	s3 =	rddreg [dreg:$0x2];
	[bflag:$0x3] =	sbarrier.arrive $0xFFFF;
	s2 =	simm.s32 @!p0 $0x1C02  }
0xbd: {  	[timem:s3], [sflag:s2] =	dma.local @!p0 [hbm:s0], s1  }
0xbe: {  	s0 =	simm.s32 @!p0 $0x2  }
0xbf: {  	_ =	swait.ge @!p0 [sflag:s0], s1  }
0xc0: {  	s1 =	ssub.s32 @!p0 $0x0, s1;
	[sflag:s0] =	ssyncset.done @!p0 $0x0  }
0xc1: {  	[sflag:s0] =	ssyncadd.s32 @!p0 s1  }
0xc2: {  	[bflag:$0x3] =	sbarrier.arrive $0xFFFF  }
0xc3: {  	_ =	shalt  }

</sc_bundles>
